<compile_context>
chip_gen: v7x
topology: tpu7x:2x2x1
jax: 0.10.2.dev20260603
libtpu: 0.0.44.dev20260713+nightly
codegen_flags: <defaults>
</compile_context>

<pallas_src>
import functools

import jax
import jax.numpy as jnp
from jax import lax
from jax.experimental import pallas as pl
from jax.experimental.pallas import tpu as pltpu
from jax.experimental.pallas import tpu_sc as plsc

VOCAB = 100000
EMBED = 128
MAX_LEN = 512
NUM_SEG = 2
B, S = 4096, 200
N = B * S

_info = plsc.get_sparse_core_info()
NC, NS, L = _info.num_cores, _info.num_subcores, _info.num_lanes
NW = NC * NS
PER_TILE = N // NW
C = 128
CHUNKS = PER_TILE // C
NBUF = 2
OUTER = CHUNKS // NBUF


def _sc_embed(tok_ids, cmb_ids, tok_table, cmb_table):
    mesh = plsc.VectorSubcoreMesh(core_axis_name="c", subcore_axis_name="s")

    @functools.partial(
        pl.kernel,
        mesh=mesh,
        out_type=jax.ShapeDtypeStruct((N, EMBED), jnp.float32),
        scratch_types=(
            [pltpu.VMEM((C,), jnp.int32) for _ in range(NBUF)]
            + [pltpu.VMEM((C,), jnp.int32) for _ in range(NBUF)]
            + [pltpu.VMEM((C, EMBED), jnp.float32) for _ in range(NBUF)]
            + [pltpu.VMEM((C, EMBED), jnp.float32) for _ in range(NBUF)]
            + [pltpu.VMEM((C, EMBED), jnp.float32) for _ in range(NBUF)]
            + [pltpu.SemaphoreType.DMA for _ in range(3 * NBUF)]
        ),
    )
    def k(tok_ids_hbm, cmb_ids_hbm, tok_tab_hbm, cmb_tab_hbm, out_hbm, *scr):
        idx_tok = scr[0:NBUF]
        idx_cmb = scr[NBUF:2 * NBUF]
        buf_a = scr[2 * NBUF:3 * NBUF]
        buf_b = scr[3 * NBUF:4 * NBUF]
        buf_o = scr[4 * NBUF:5 * NBUF]
        sem_a = scr[5 * NBUF:6 * NBUF]
        sem_b = scr[6 * NBUF:7 * NBUF]
        sem_o = scr[7 * NBUF:8 * NBUF]

        wid = lax.axis_index("s") * NC + lax.axis_index("c")
        tile_base = wid * PER_TILE

        def issue(g, b):
            base = pl.multiple_of(tile_base + g * C, C)
            pltpu.sync_copy(tok_ids_hbm.at[pl.ds(base, C)], idx_tok[b])
            pltpu.sync_copy(cmb_ids_hbm.at[pl.ds(base, C)], idx_cmb[b])
            pltpu.async_copy(tok_tab_hbm.at[idx_tok[b]], buf_a[b], sem_a[b])
            pltpu.async_copy(cmb_tab_hbm.at[idx_cmb[b]], buf_b[b], sem_b[b])

        def wait_gathers(b):
            pltpu.make_async_copy(tok_tab_hbm.at[idx_tok[b]], buf_a[b],
                                  sem_a[b]).wait()
            pltpu.make_async_copy(cmb_tab_hbm.at[idx_cmb[b]], buf_b[b],
                                  sem_b[b]).wait()

        def drain_store(g, b):
            base = pl.multiple_of(tile_base + g * C, C)
            pltpu.make_async_copy(buf_o[b], out_hbm.at[pl.ds(base, C)],
                                  sem_o[b]).wait()

        for b in range(NBUF):
            issue(b, b)

        def outer_body(gp, _):
            for b in range(NBUF):
                g = gp * NBUF + b
                @pl.when(gp >= 1)
                def _():
                    drain_store(g - NBUF, b)
                wait_gathers(b)

                def add_body(r, _):
                    for j in range(EMBED // L):
                        sl = pl.ds(j * L, L)
                        buf_o[b][r, sl] = buf_a[b][r, sl] + buf_b[b][r, sl]
                    return 0

                lax.fori_loop(0, C, add_body, 0)
                base = pl.multiple_of(tile_base + g * C, C)
                pltpu.async_copy(buf_o[b], out_hbm.at[pl.ds(base, C)], sem_o[b])

                @pl.when(gp + 1 < OUTER)
                def _():
                    issue(g + NBUF, b)
            return 0

        lax.fori_loop(0, OUTER, outer_body, 0)
        for b in range(NBUF):
            drain_store(CHUNKS - NBUF + b, b)

    return k(tok_ids, cmb_ids, tok_table, cmb_table)


def kernel(token_ids, position_ids, segment_ids, tok_table, pos_table, seg_table):
    tok_flat = token_ids.reshape(N).astype(jnp.int32)
    cmb_flat = (position_ids.reshape(N) * NUM_SEG + segment_ids.reshape(N)).astype(jnp.int32)
    cmb_table = (pos_table[:, None, :] + seg_table[None, :, :]).reshape(
        MAX_LEN * NUM_SEG, EMBED)
    out = _sc_embed(tok_flat, cmb_flat, tok_table, cmb_table)
    return out.reshape(B, S, EMBED)

# --- scband reference (transcript-rebuilt; emitter-appended) ---
"""Pipeline reference for scband-bert-embedding-29566554866118 (READ-ONLY COPY).

The authoritative reference and input builder live on the scoring server;
editing this copy changes nothing except your own understanding.
"""

import jax, jax.numpy as jnp
import numpy as np

VOCAB = 100000
EMBED = 128
MAX_LEN = 512
NUM_SEG = 2
B, S = 4096, 200


def setup_inputs(seed: int = 0) -> dict:
    key = jax.random.key(seed)
    k1, k2, k3, k4, k5, k6 = jax.random.split(key, 6)
    token_ids = jax.random.randint(k1, (B, S), 0, VOCAB, dtype=jnp.int64 if jax.config.jax_enable_x64 else jnp.int32)
    position_ids = jax.random.randint(k2, (B, S), 0, MAX_LEN, dtype=token_ids.dtype)
    segment_ids = jax.random.randint(k3, (B, S), 0, NUM_SEG, dtype=token_ids.dtype)
    tok_table = jax.random.normal(k4, (VOCAB, EMBED), dtype=jnp.float32) * 0.02
    pos_table = jax.random.normal(k5, (MAX_LEN, EMBED), dtype=jnp.float32) * 0.02
    seg_table = jax.random.normal(k6, (NUM_SEG, EMBED), dtype=jnp.float32) * 0.02
    return {
        "token_ids": token_ids,
        "position_ids": position_ids,
        "segment_ids": segment_ids,
        "tok_table": tok_table,
        "pos_table": pos_table,
        "seg_table": seg_table,
    }


def reference(token_ids, position_ids, segment_ids, tok_table, pos_table, seg_table):
    # Embedding lookups -> gathers (SparseCore-friendly)
    token_embeddings = jnp.take(tok_table, token_ids, axis=0)
    position_embeddings = jnp.take(pos_table, position_ids, axis=0)
    segment_embeddings = jnp.take(seg_table, segment_ids, axis=0)
    embeddings = token_embeddings + position_embeddings + segment_embeddings
    # dropout is identity in eval mode
    return embeddings

if __name__ == "__main__":
    import jax
    _d = setup_inputs()
    print(jax.jit(kernel)(*tuple(_d.values())))

</pallas_src>

<mosaic_0001>
#map = affine_map<(d0, d1) -> (0)>
#map1 = affine_map<(d0, d1) -> (0, 0)>
module attributes {stable_mosaic.version = 14 : i64} {
  func.func @k(%arg0: i32, %arg1: i32, %arg2: memref<819200xi32, #tpu.memory_space<hbm>>, %arg3: memref<819200xi32, #tpu.memory_space<hbm>>, %arg4: memref<100000x128xf32, #tpu.memory_space<hbm>>, %arg5: memref<1024x128xf32, #tpu.memory_space<hbm>>, %arg6: memref<819200x128xf32, #tpu.memory_space<hbm>>, %arg7: memref<128xi32, #tpu.memory_space<vmem>>, %arg8: memref<128xi32, #tpu.memory_space<vmem>>, %arg9: memref<128xi32, #tpu.memory_space<vmem>>, %arg10: memref<128xi32, #tpu.memory_space<vmem>>, %arg11: memref<128x128xf32, #tpu.memory_space<vmem>>, %arg12: memref<128x128xf32, #tpu.memory_space<vmem>>, %arg13: memref<128x128xf32, #tpu.memory_space<vmem>>, %arg14: memref<128x128xf32, #tpu.memory_space<vmem>>, %arg15: memref<128x128xf32, #tpu.memory_space<vmem>>, %arg16: memref<128x128xf32, #tpu.memory_space<vmem>>, %arg17: memref<!tpu.dma_semaphore, #tpu.memory_space<semaphore_mem>>, %arg18: memref<!tpu.dma_semaphore, #tpu.memory_space<semaphore_mem>>, %arg19: memref<!tpu.dma_semaphore, #tpu.memory_space<semaphore_mem>>, %arg20: memref<!tpu.dma_semaphore, #tpu.memory_space<semaphore_mem>>, %arg21: memref<!tpu.dma_semaphore, #tpu.memory_space<semaphore_mem>>, %arg22: memref<!tpu.dma_semaphore, #tpu.memory_space<semaphore_mem>>) attributes {dimension_semantics = [#tpu.dimension_semantics<core_parallel>, #tpu.dimension_semantics<subcore_parallel>], iteration_bounds = array<i64: 2, 16>, scalar_prefetch = 0 : i64, scratch_operands = 16 : i64, tpu.core_type = #tpu.core_type<sc_vector_subcore>, window_params = [{transform_indices = #map}, {transform_indices = #map}, {transform_indices = #map1}, {transform_indices = #map1}, {transform_indices = #map1}]} {
    %mul3A = arith.constant 2 : i32
    %mul3A_0 = arith.muli %arg1, %mul3A : i32
    %add3A = arith.addi %mul3A_0, %arg0 : i32
    %mul3A_1 = arith.constant 25600 : i32
    %mul3A_2 = arith.muli %add3A, %mul3A_1 : i32
    %add3A_3 = arith.constant 0 : i32
    %add3A_4 = arith.addi %mul3A_2, %add3A_3 : i32
    %multiple_of3A = tpu.assume_multiple %add3A_4, 128 : i32
    "tpu.region"() ({
      %run_scoped3A = tpu.sem_alloc : memref<!tpu.dma_semaphore, #tpu.memory_space<semaphore_mem>>
      %dma_start3A_38 = tpu.memref_slice %arg2[%multiple_of3A] : memref<819200xi32, #tpu.memory_space<hbm>> -> memref<128xi32, #tpu.memory_space<hbm>>
      %dma_start3A_39 = tpu.memref_slice %arg2[%multiple_of3A] : memref<819200xi32, #tpu.memory_space<hbm>> -> memref<128xi32, #tpu.memory_space<hbm>>
      tpu.enqueue_dma source(%dma_start3A_39 : memref<128xi32, #tpu.memory_space<hbm>>) target(%arg7 : memref<128xi32, #tpu.memory_space<vmem>>) target_semaphore(%run_scoped3A : memref<!tpu.dma_semaphore, #tpu.memory_space<semaphore_mem>>)
      %dma_wait3A_40 = tpu.memref_slice %arg2[%multiple_of3A] : memref<819200xi32, #tpu.memory_space<hbm>> -> memref<128xi32, #tpu.memory_space<hbm>>
      %dma_wait3A_41 = tpu.memref_slice %arg2[%multiple_of3A] : memref<819200xi32, #tpu.memory_space<hbm>> -> memref<128xi32, #tpu.memory_space<hbm>>
      tpu.wait_dma2 semaphore(%run_scoped3A : memref<!tpu.dma_semaphore, #tpu.memory_space<semaphore_mem>>) src(%dma_wait3A_41 : memref<128xi32, #tpu.memory_space<hbm>>) dst(%arg7 : memref<128xi32, #tpu.memory_space<vmem>>)
      tpu.yield
    }) : () -> ()
    "tpu.region"() ({
      %run_scoped3A = tpu.sem_alloc : memref<!tpu.dma_semaphore, #tpu.memory_space<semaphore_mem>>
      %dma_start3A_38 = tpu.memref_slice %arg3[%multiple_of3A] : memref<819200xi32, #tpu.memory_space<hbm>> -> memref<128xi32, #tpu.memory_space<hbm>>
      %dma_start3A_39 = tpu.memref_slice %arg3[%multiple_of3A] : memref<819200xi32, #tpu.memory_space<hbm>> -> memref<128xi32, #tpu.memory_space<hbm>>
      tpu.enqueue_dma source(%dma_start3A_39 : memref<128xi32, #tpu.memory_space<hbm>>) target(%arg9 : memref<128xi32, #tpu.memory_space<vmem>>) target_semaphore(%run_scoped3A : memref<!tpu.dma_semaphore, #tpu.memory_space<semaphore_mem>>)
      %dma_wait3A_40 = tpu.memref_slice %arg3[%multiple_of3A] : memref<819200xi32, #tpu.memory_space<hbm>> -> memref<128xi32, #tpu.memory_space<hbm>>
      %dma_wait3A_41 = tpu.memref_slice %arg3[%multiple_of3A] : memref<819200xi32, #tpu.memory_space<hbm>> -> memref<128xi32, #tpu.memory_space<hbm>>
      tpu.wait_dma2 semaphore(%run_scoped3A : memref<!tpu.dma_semaphore, #tpu.memory_space<semaphore_mem>>) src(%dma_wait3A_41 : memref<128xi32, #tpu.memory_space<hbm>>) dst(%arg9 : memref<128xi32, #tpu.memory_space<vmem>>)
      tpu.yield
    }) : () -> ()
    %dma_start3A = arith.constant 0 : i32
    %dma_start3A_5 = arith.constant 0 : i32
    %dma_start3A_6 = tpu.memref_slice %arg4[%dma_start3A, %dma_start3A_5] : memref<100000x128xf32, #tpu.memory_space<hbm>> -> memref<100000x128xf32, #tpu.memory_space<hbm>>
    tpu.enqueue_indirect_dma source(%dma_start3A_6 : memref<100000x128xf32, #tpu.memory_space<hbm>>) target(%arg11 : memref<128x128xf32, #tpu.memory_space<vmem>>) offsets(%arg7 : memref<128xi32, #tpu.memory_space<vmem>>) semaphore(%arg17 : memref<!tpu.dma_semaphore, #tpu.memory_space<semaphore_mem>>)
    %dma_start3A_7 = arith.constant 0 : i32
    %dma_start3A_8 = arith.constant 0 : i32
    %dma_start3A_9 = tpu.memref_slice %arg5[%dma_start3A_7, %dma_start3A_8] : memref<1024x128xf32, #tpu.memory_space<hbm>> -> memref<1024x128xf32, #tpu.memory_space<hbm>>
    tpu.enqueue_indirect_dma source(%dma_start3A_9 : memref<1024x128xf32, #tpu.memory_space<hbm>>) target(%arg13 : memref<128x128xf32, #tpu.memory_space<vmem>>) offsets(%arg9 : memref<128xi32, #tpu.memory_space<vmem>>) semaphore(%arg19 : memref<!tpu.dma_semaphore, #tpu.memory_space<semaphore_mem>>)
    %add3A_10 = arith.constant 128 : i32
    %add3A_11 = arith.addi %mul3A_2, %add3A_10 : i32
    %multiple_of3A_12 = tpu.assume_multiple %add3A_11, 128 : i32
    "tpu.region"() ({
      %run_scoped3A = tpu.sem_alloc : memref<!tpu.dma_semaphore, #tpu.memory_space<semaphore_mem>>
      %dma_start3A_38 = tpu.memref_slice %arg2[%multiple_of3A_12] : memref<819200xi32, #tpu.memory_space<hbm>> -> memref<128xi32, #tpu.memory_space<hbm>>
      %dma_start3A_39 = tpu.memref_slice %arg2[%multiple_of3A_12] : memref<819200xi32, #tpu.memory_space<hbm>> -> memref<128xi32, #tpu.memory_space<hbm>>
      tpu.enqueue_dma source(%dma_start3A_39 : memref<128xi32, #tpu.memory_space<hbm>>) target(%arg8 : memref<128xi32, #tpu.memory_space<vmem>>) target_semaphore(%run_scoped3A : memref<!tpu.dma_semaphore, #tpu.memory_space<semaphore_mem>>)
      %dma_wait3A_40 = tpu.memref_slice %arg2[%multiple_of3A_12] : memref<819200xi32, #tpu.memory_space<hbm>> -> memref<128xi32, #tpu.memory_space<hbm>>
      %dma_wait3A_41 = tpu.memref_slice %arg2[%multiple_of3A_12] : memref<819200xi32, #tpu.memory_space<hbm>> -> memref<128xi32, #tpu.memory_space<hbm>>
      tpu.wait_dma2 semaphore(%run_scoped3A : memref<!tpu.dma_semaphore, #tpu.memory_space<semaphore_mem>>) src(%dma_wait3A_41 : memref<128xi32, #tpu.memory_space<hbm>>) dst(%arg8 : memref<128xi32, #tpu.memory_space<vmem>>)
      tpu.yield
    }) : () -> ()
    "tpu.region"() ({
      %run_scoped3A = tpu.sem_alloc : memref<!tpu.dma_semaphore, #tpu.memory_space<semaphore_mem>>
      %dma_start3A_38 = tpu.memref_slice %arg3[%multiple_of3A_12] : memref<819200xi32, #tpu.memory_space<hbm>> -> memref<128xi32, #tpu.memory_space<hbm>>
      %dma_start3A_39 = tpu.memref_slice %arg3[%multiple_of3A_12] : memref<819200xi32, #tpu.memory_space<hbm>> -> memref<128xi32, #tpu.memory_space<hbm>>
      tpu.enqueue_dma source(%dma_start3A_39 : memref<128xi32, #tpu.memory_space<hbm>>) target(%arg10 : memref<128xi32, #tpu.memory_space<vmem>>) target_semaphore(%run_scoped3A : memref<!tpu.dma_semaphore, #tpu.memory_space<semaphore_mem>>)
      %dma_wait3A_40 = tpu.memref_slice %arg3[%multiple_of3A_12] : memref<819200xi32, #tpu.memory_space<hbm>> -> memref<128xi32, #tpu.memory_space<hbm>>
      %dma_wait3A_41 = tpu.memref_slice %arg3[%multiple_of3A_12] : memref<819200xi32, #tpu.memory_space<hbm>> -> memref<128xi32, #tpu.memory_space<hbm>>
      tpu.wait_dma2 semaphore(%run_scoped3A : memref<!tpu.dma_semaphore, #tpu.memory_space<semaphore_mem>>) src(%dma_wait3A_41 : memref<128xi32, #tpu.memory_space<hbm>>) dst(%arg10 : memref<128xi32, #tpu.memory_space<vmem>>)
      tpu.yield
    }) : () -> ()
    %dma_start3A_13 = arith.constant 0 : i32
    %dma_start3A_14 = arith.constant 0 : i32
    %dma_start3A_15 = tpu.memref_slice %arg4[%dma_start3A_13, %dma_start3A_14] : memref<100000x128xf32, #tpu.memory_space<hbm>> -> memref<100000x128xf32, #tpu.memory_space<hbm>>
    tpu.enqueue_indirect_dma source(%dma_start3A_15 : memref<100000x128xf32, #tpu.memory_space<hbm>>) target(%arg12 : memref<128x128xf32, #tpu.memory_space<vmem>>) offsets(%arg8 : memref<128xi32, #tpu.memory_space<vmem>>) semaphore(%arg18 : memref<!tpu.dma_semaphore, #tpu.memory_space<semaphore_mem>>)
    %dma_start3A_16 = arith.constant 0 : i32
    %dma_start3A_17 = arith.constant 0 : i32
    %dma_start3A_18 = tpu.memref_slice %arg5[%dma_start3A_16, %dma_start3A_17] : memref<1024x128xf32, #tpu.memory_space<hbm>> -> memref<1024x128xf32, #tpu.memory_space<hbm>>
    tpu.enqueue_indirect_dma source(%dma_start3A_18 : memref<1024x128xf32, #tpu.memory_space<hbm>>) target(%arg14 : memref<128x128xf32, #tpu.memory_space<vmem>>) offsets(%arg10 : memref<128xi32, #tpu.memory_space<vmem>>) semaphore(%arg20 : memref<!tpu.dma_semaphore, #tpu.memory_space<semaphore_mem>>)
    %scan3A = arith.constant 0 : i32
    %scan3A_19 = arith.constant 0 : i32
    %scan3A_20 = arith.constant 100 : i32
    %scan3A_21 = arith.addi %scan3A_19, %scan3A_20 : i32
    %scan3A_22 = arith.constant 1 : i32
    %scan3A_23 = scf.for %scan3A_38 = %scan3A_19 to %scan3A_21 step %scan3A_22 iter_args(%scan3A_39 = %scan3A) -> (i32)  : i32 {
      %mul3A_40 = arith.constant 2 : i32
      %mul3A_41 = arith.muli %scan3A_38, %mul3A_40 : i32
      %add3A_42 = arith.constant 0 : i32
      %add3A_43 = arith.addi %mul3A_41, %add3A_42 : i32
      %ge3A = arith.constant 1 : i32
      %ge3A_44 = arith.cmpi sge, %scan3A_38, %ge3A : i32
      %convert_element_type3A = arith.extui %ge3A_44 : i1 to i32
      %cond3A = arith.constant 0 : i32
      %cond3A_45 = arith.cmpi ne, %convert_element_type3A, %cond3A : i32
      scf.if %cond3A_45 {
        %sub3A = arith.constant 2 : i32
        %sub3A_111 = arith.subi %add3A_43, %sub3A : i32
        %mul3A_112 = arith.constant 128 : i32
        %mul3A_113 = arith.muli %sub3A_111, %mul3A_112 : i32
        %add3A_114 = arith.addi %mul3A_2, %mul3A_113 : i32
        %multiple_of3A_115 = tpu.assume_multiple %add3A_114, 128 : i32
        %dma_wait3A_116 = arith.constant 0 : i32
        %dma_wait3A_117 = tpu.memref_slice %arg6[%multiple_of3A_115, %dma_wait3A_116] : memref<819200x128xf32, #tpu.memory_space<hbm>> -> memref<128x128xf32, #tpu.memory_space<hbm>>
        %dma_wait3A_118 = arith.constant 0 : i32
        %dma_wait3A_119 = tpu.memref_slice %arg6[%multiple_of3A_115, %dma_wait3A_118] : memref<819200x128xf32, #tpu.memory_space<hbm>> -> memref<128x128xf32, #tpu.memory_space<hbm>>
        tpu.wait_dma2 semaphore(%arg21 : memref<!tpu.dma_semaphore, #tpu.memory_space<semaphore_mem>>) src(%arg15 : memref<128x128xf32, #tpu.memory_space<vmem>>) dst(%dma_wait3A_119 : memref<128x128xf32, #tpu.memory_space<hbm>>)
      } else {
      }
      %dma_wait3A_46 = arith.constant 0 : i32
      %dma_wait3A_47 = arith.constant 0 : i32
      %dma_wait3A_48 = tpu.memref_slice %arg4[%dma_wait3A_46, %dma_wait3A_47] : memref<100000x128xf32, #tpu.memory_space<hbm>> -> memref<100000x128xf32, #tpu.memory_space<hbm>>
      tpu.wait_indirect_dma semaphore(%arg17 : memref<!tpu.dma_semaphore, #tpu.memory_space<semaphore_mem>>) src(%dma_wait3A_48 : memref<100000x128xf32, #tpu.memory_space<hbm>>) dst(%arg11 : memref<128x128xf32, #tpu.memory_space<vmem>>)
      %dma_wait3A_49 = arith.constant 0 : i32
      %dma_wait3A_50 = arith.constant 0 : i32
      %dma_wait3A_51 = tpu.memref_slice %arg5[%dma_wait3A_49, %dma_wait3A_50] : memref<1024x128xf32, #tpu.memory_space<hbm>> -> memref<1024x128xf32, #tpu.memory_space<hbm>>
      tpu.wait_indirect_dma semaphore(%arg19 : memref<!tpu.dma_semaphore, #tpu.memory_space<semaphore_mem>>) src(%dma_wait3A_51 : memref<1024x128xf32, #tpu.memory_space<hbm>>) dst(%arg13 : memref<128x128xf32, #tpu.memory_space<vmem>>)
      %scan3A_52 = arith.constant 0 : i32
      %scan3A_53 = arith.constant 0 : i32
      %scan3A_54 = arith.constant 128 : i32
      %scan3A_55 = arith.addi %scan3A_53, %scan3A_54 : i32
      %scan3A_56 = arith.constant 1 : i32
      %scan3A_57 = scf.for %scan3A_111 = %scan3A_53 to %scan3A_55 step %scan3A_56 iter_args(%scan3A_112 = %scan3A_52) -> (i32)  : i32 {
        %get3A = arith.index_cast %scan3A_111 : i32 to index
        %get3A_113 = arith.constant 0 : index
        %get3A_114 = tpu.vector_load %arg11[%get3A, %get3A_113] {strides = array<i32>} : memref<128x128xf32, #tpu.memory_space<vmem>>, vector<1x16xf32>,
        %get3A_115 = vector.shape_cast %get3A_114 : vector<1x16xf32> to vector<16xf32>
        %get3A_116 = arith.index_cast %scan3A_111 : i32 to index
        %get3A_117 = arith.constant 0 : index
        %get3A_118 = tpu.vector_load %arg13[%get3A_116, %get3A_117] {strides = array<i32>} : memref<128x128xf32, #tpu.memory_space<vmem>>, vector<1x16xf32>,
        %get3A_119 = vector.shape_cast %get3A_118 : vector<1x16xf32> to vector<16xf32>
        %add3A_120 = arith.addf %get3A_115, %get3A_119 : vector<16xf32>
        %swap3A = arith.index_cast %scan3A_111 : i32 to index
        %swap3A_121 = arith.constant 0 : index
        %swap3A_122 = tpu.vector_load %arg15[%swap3A, %swap3A_121] {strides = array<i32>} : memref<128x128xf32, #tpu.memory_space<vmem>>, vector<1x16xf32>,
        %swap3A_123 = vector.shape_cast %swap3A_122 : vector<1x16xf32> to vector<16xf32>
        %swap3A_124 = vector.shape_cast %add3A_120 : vector<16xf32> to vector<1x16xf32>
        tpu.vector_store %arg15[%swap3A, %swap3A_121], %swap3A_124 {strides = array<i32>} : memref<128x128xf32, #tpu.memory_space<vmem>>, vector<1x16xf32>,
        %get3A_125 = arith.index_cast %scan3A_111 : i32 to index
        %get3A_126 = arith.constant 16 : index
        %get3A_127 = tpu.vector_load %arg11[%get3A_125, %get3A_126] {strides = array<i32>} : memref<128x128xf32, #tpu.memory_space<vmem>>, vector<1x16xf32>,
        %get3A_128 = vector.shape_cast %get3A_127 : vector<1x16xf32> to vector<16xf32>
        %get3A_129 = arith.index_cast %scan3A_111 : i32 to index
        %get3A_130 = arith.constant 16 : index
        %get3A_131 = tpu.vector_load %arg13[%get3A_129, %get3A_130] {strides = array<i32>} : memref<128x128xf32, #tpu.memory_space<vmem>>, vector<1x16xf32>,
        %get3A_132 = vector.shape_cast %get3A_131 : vector<1x16xf32> to vector<16xf32>
        %add3A_133 = arith.addf %get3A_128, %get3A_132 : vector<16xf32>
        %swap3A_134 = arith.index_cast %scan3A_111 : i32 to index
        %swap3A_135 = arith.constant 16 : index
        %swap3A_136 = tpu.vector_load %arg15[%swap3A_134, %swap3A_135] {strides = array<i32>} : memref<128x128xf32, #tpu.memory_space<vmem>>, vector<1x16xf32>,
        %swap3A_137 = vector.shape_cast %swap3A_136 : vector<1x16xf32> to vector<16xf32>
        %swap3A_138 = vector.shape_cast %add3A_133 : vector<16xf32> to vector<1x16xf32>
        tpu.vector_store %arg15[%swap3A_134, %swap3A_135], %swap3A_138 {strides = array<i32>} : memref<128x128xf32, #tpu.memory_space<vmem>>, vector<1x16xf32>,
        %get3A_139 = arith.index_cast %scan3A_111 : i32 to index
        %get3A_140 = arith.constant 32 : index
        %get3A_141 = tpu.vector_load %arg11[%get3A_139, %get3A_140] {strides = array<i32>} : memref<128x128xf32, #tpu.memory_space<vmem>>, vector<1x16xf32>,
        %get3A_142 = vector.shape_cast %get3A_141 : vector<1x16xf32> to vector<16xf32>
        %get3A_143 = arith.index_cast %scan3A_111 : i32 to index
        %get3A_144 = arith.constant 32 : index
        %get3A_145 = tpu.vector_load %arg13[%get3A_143, %get3A_144] {strides = array<i32>} : memref<128x128xf32, #tpu.memory_space<vmem>>, vector<1x16xf32>,
        %get3A_146 = vector.shape_cast %get3A_145 : vector<1x16xf32> to vector<16xf32>
        %add3A_147 = arith.addf %get3A_142, %get3A_146 : vector<16xf32>
        %swap3A_148 = arith.index_cast %scan3A_111 : i32 to index
        %swap3A_149 = arith.constant 32 : index
        %swap3A_150 = tpu.vector_load %arg15[%swap3A_148, %swap3A_149] {strides = array<i32>} : memref<128x128xf32, #tpu.memory_space<vmem>>, vector<1x16xf32>,
        %swap3A_151 = vector.shape_cast %swap3A_150 : vector<1x16xf32> to vector<16xf32>
        %swap3A_152 = vector.shape_cast %add3A_147 : vector<16xf32> to vector<1x16xf32>
        tpu.vector_store %arg15[%swap3A_148, %swap3A_149], %swap3A_152 {strides = array<i32>} : memref<128x128xf32, #tpu.memory_space<vmem>>, vector<1x16xf32>,
        %get3A_153 = arith.index_cast %scan3A_111 : i32 to index
        %get3A_154 = arith.constant 48 : index
        %get3A_155 = tpu.vector_load %arg11[%get3A_153, %get3A_154] {strides = array<i32>} : memref<128x128xf32, #tpu.memory_space<vmem>>, vector<1x16xf32>,
        %get3A_156 = vector.shape_cast %get3A_155 : vector<1x16xf32> to vector<16xf32>
        %get3A_157 = arith.index_cast %scan3A_111 : i32 to index
        %get3A_158 = arith.constant 48 : index
        %get3A_159 = tpu.vector_load %arg13[%get3A_157, %get3A_158] {strides = array<i32>} : memref<128x128xf32, #tpu.memory_space<vmem>>, vector<1x16xf32>,
        %get3A_160 = vector.shape_cast %get3A_159 : vector<1x16xf32> to vector<16xf32>
        %add3A_161 = arith.addf %get3A_156, %get3A_160 : vector<16xf32>
        %swap3A_162 = arith.index_cast %scan3A_111 : i32 to index
        %swap3A_163 = arith.constant 48 : index
        %swap3A_164 = tpu.vector_load %arg15[%swap3A_162, %swap3A_163] {strides = array<i32>} : memref<128x128xf32, #tpu.memory_space<vmem>>, vector<1x16xf32>,
        %swap3A_165 = vector.shape_cast %swap3A_164 : vector<1x16xf32> to vector<16xf32>
        %swap3A_166 = vector.shape_cast %add3A_161 : vector<16xf32> to vector<1x16xf32>
        tpu.vector_store %arg15[%swap3A_162, %swap3A_163], %swap3A_166 {strides = array<i32>} : memref<128x128xf32, #tpu.memory_space<vmem>>, vector<1x16xf32>,
        %get3A_167 = arith.index_cast %scan3A_111 : i32 to index
        %get3A_168 = arith.constant 64 : index
        %get3A_169 = tpu.vector_load %arg11[%get3A_167, %get3A_168] {strides = array<i32>} : memref<128x128xf32, #tpu.memory_space<vmem>>, vector<1x16xf32>,
        %get3A_170 = vector.shape_cast %get3A_169 : vector<1x16xf32> to vector<16xf32>
        %get3A_171 = arith.index_cast %scan3A_111 : i32 to index
        %get3A_172 = arith.constant 64 : index
        %get3A_173 = tpu.vector_load %arg13[%get3A_171, %get3A_172] {strides = array<i32>} : memref<128x128xf32, #tpu.memory_space<vmem>>, vector<1x16xf32>,
        %get3A_174 = vector.shape_cast %get3A_173 : vector<1x16xf32> to vector<16xf32>
        %add3A_175 = arith.addf %get3A_170, %get3A_174 : vector<16xf32>
        %swap3A_176 = arith.index_cast %scan3A_111 : i32 to index
        %swap3A_177 = arith.constant 64 : index
        %swap3A_178 = tpu.vector_load %arg15[%swap3A_176, %swap3A_177] {strides = array<i32>} : memref<128x128xf32, #tpu.memory_space<vmem>>, vector<1x16xf32>,
        %swap3A_179 = vector.shape_cast %swap3A_178 : vector<1x16xf32> to vector<16xf32>
        %swap3A_180 = vector.shape_cast %add3A_175 : vector<16xf32> to vector<1x16xf32>
        tpu.vector_store %arg15[%swap3A_176, %swap3A_177], %swap3A_180 {strides = array<i32>} : memref<128x128xf32, #tpu.memory_space<vmem>>, vector<1x16xf32>,
        %get3A_181 = arith.index_cast %scan3A_111 : i32 to index
        %get3A_182 = arith.constant 80 : index
        %get3A_183 = tpu.vector_load %arg11[%get3A_181, %get3A_182] {strides = array<i32>} : memref<128x128xf32, #tpu.memory_space<vmem>>, vector<1x16xf32>,
        %get3A_184 = vector.shape_cast %get3A_183 : vector<1x16xf32> to vector<16xf32>
        %get3A_185 = arith.index_cast %scan3A_111 : i32 to index
        %get3A_186 = arith.constant 80 : index
        %get3A_187 = tpu.vector_load %arg13[%get3A_185, %get3A_186] {strides = array<i32>} : memref<128x128xf32, #tpu.memory_space<vmem>>, vector<1x16xf32>,
        %get3A_188 = vector.shape_cast %get3A_187 : vector<1x16xf32> to vector<16xf32>
        %add3A_189 = arith.addf %get3A_184, %get3A_188 : vector<16xf32>
        %swap3A_190 = arith.index_cast %scan3A_111 : i32 to index
        %swap3A_191 = arith.constant 80 : index
        %swap3A_192 = tpu.vector_load %arg15[%swap3A_190, %swap3A_191] {strides = array<i32>} : memref<128x128xf32, #tpu.memory_space<vmem>>, vector<1x16xf32>,
        %swap3A_193 = vector.shape_cast %swap3A_192 : vector<1x16xf32> to vector<16xf32>
        %swap3A_194 = vector.shape_cast %add3A_189 : vector<16xf32> to vector<1x16xf32>
        tpu.vector_store %arg15[%swap3A_190, %swap3A_191], %swap3A_194 {strides = array<i32>} : memref<128x128xf32, #tpu.memory_space<vmem>>, vector<1x16xf32>,
        %get3A_195 = arith.index_cast %scan3A_111 : i32 to index
        %get3A_196 = arith.constant 96 : index
        %get3A_197 = tpu.vector_load %arg11[%get3A_195, %get3A_196] {strides = array<i32>} : memref<128x128xf32, #tpu.memory_space<vmem>>, vector<1x16xf32>,
        %get3A_198 = vector.shape_cast %get3A_197 : vector<1x16xf32> to vector<16xf32>
        %get3A_199 = arith.index_cast %scan3A_111 : i32 to index
        %get3A_200 = arith.constant 96 : index
        %get3A_201 = tpu.vector_load %arg13[%get3A_199, %get3A_200] {strides = array<i32>} : memref<128x128xf32, #tpu.memory_space<vmem>>, vector<1x16xf32>,
        %get3A_202 = vector.shape_cast %get3A_201 : vector<1x16xf32> to vector<16xf32>
        %add3A_203 = arith.addf %get3A_198, %get3A_202 : vector<16xf32>
        %swap3A_204 = arith.index_cast %scan3A_111 : i32 to index
        %swap3A_205 = arith.constant 96 : index
        %swap3A_206 = tpu.vector_load %arg15[%swap3A_204, %swap3A_205] {strides = array<i32>} : memref<128x128xf32, #tpu.memory_space<vmem>>, vector<1x16xf32>,
        %swap3A_207 = vector.shape_cast %swap3A_206 : vector<1x16xf32> to vector<16xf32>
        %swap3A_208 = vector.shape_cast %add3A_203 : vector<16xf32> to vector<1x16xf32>
        tpu.vector_store %arg15[%swap3A_204, %swap3A_205], %swap3A_208 {strides = array<i32>} : memref<128x128xf32, #tpu.memory_space<vmem>>, vector<1x16xf32>,
        %get3A_209 = arith.index_cast %scan3A_111 : i32 to index
        %get3A_210 = arith.constant 112 : index
        %get3A_211 = tpu.vector_load %arg11[%get3A_209, %get3A_210] {strides = array<i32>} : memref<128x128xf32, #tpu.memory_space<vmem>>, vector<1x16xf32>,
        %get3A_212 = vector.shape_cast %get3A_211 : vector<1x16xf32> to vector<16xf32>
        %get3A_213 = arith.index_cast %scan3A_111 : i32 to index
        %get3A_214 = arith.constant 112 : index
        %get3A_215 = tpu.vector_load %arg13[%get3A_213, %get3A_214] {strides = array<i32>} : memref<128x128xf32, #tpu.memory_space<vmem>>, vector<1x16xf32>,
        %get3A_216 = vector.shape_cast %get3A_215 : vector<1x16xf32> to vector<16xf32>
        %add3A_217 = arith.addf %get3A_212, %get3A_216 : vector<16xf32>
        %swap3A_218 = arith.index_cast %scan3A_111 : i32 to index
        %swap3A_219 = arith.constant 112 : index
        %swap3A_220 = tpu.vector_load %arg15[%swap3A_218, %swap3A_219] {strides = array<i32>} : memref<128x128xf32, #tpu.memory_space<vmem>>, vector<1x16xf32>,
        %swap3A_221 = vector.shape_cast %swap3A_220 : vector<1x16xf32> to vector<16xf32>
        %swap3A_222 = vector.shape_cast %add3A_217 : vector<16xf32> to vector<1x16xf32>
        tpu.vector_store %arg15[%swap3A_218, %swap3A_219], %swap3A_222 {strides = array<i32>} : memref<128x128xf32, #tpu.memory_space<vmem>>, vector<1x16xf32>,
        %scan3A_223 = arith.constant 0 : i32
        scf.yield %scan3A_223 : i32
      }
      %scan3A_58 = arith.constant 128 : i32
      %mul3A_59 = arith.constant 128 : i32
      %mul3A_60 = arith.muli %add3A_43, %mul3A_59 : i32
      %add3A_61 = arith.addi %mul3A_2, %mul3A_60 : i32
      %multiple_of3A_62 = tpu.assume_multiple %add3A_61, 128 : i32
      %dma_start3A_63 = arith.constant 0 : i32
      %dma_start3A_64 = tpu.memref_slice %arg6[%multiple_of3A_62, %dma_start3A_63] : memref<819200x128xf32, #tpu.memory_space<hbm>> -> memref<128x128xf32, #tpu.memory_space<hbm>>
      %dma_start3A_65 = arith.constant 0 : i32
      %dma_start3A_66 = tpu.memref_slice %arg6[%multiple_of3A_62, %dma_start3A_65] : memref<819200x128xf32, #tpu.memory_space<hbm>> -> memref<128x128xf32, #tpu.memory_space<hbm>>
      tpu.enqueue_dma source(%arg15 : memref<128x128xf32, #tpu.memory_space<vmem>>) target(%dma_start3A_66 : memref<128x128xf32, #tpu.memory_space<hbm>>) target_semaphore(%arg21 : memref<!tpu.dma_semaphore, #tpu.memory_space<semaphore_mem>>)
      %add3A_67 = arith.constant 1 : i32
      %add3A_68 = arith.addi %scan3A_38, %add3A_67 : i32
      %lt3A = arith.constant 100 : i32
      %lt3A_69 = arith.cmpi slt, %add3A_68, %lt3A : i32
      %convert_element_type3A_70 = arith.extui %lt3A_69 : i1 to i32
      %cond3A_71 = arith.constant 0 : i32
      %cond3A_72 = arith.cmpi ne, %convert_element_type3A_70, %cond3A_71 : i32
      scf.if %cond3A_72 {
        %add3A_111 = arith.constant 2 : i32
        %add3A_112 = arith.addi %add3A_43, %add3A_111 : i32
        %mul3A_113 = arith.constant 128 : i32
        %mul3A_114 = arith.muli %add3A_112, %mul3A_113 : i32
        %add3A_115 = arith.addi %mul3A_2, %mul3A_114 : i32
        %multiple_of3A_116 = tpu.assume_multiple %add3A_115, 128 : i32
        "tpu.region"() ({
          %run_scoped3A = tpu.sem_alloc : memref<!tpu.dma_semaphore, #tpu.memory_space<semaphore_mem>>
          %dma_start3A_123 = tpu.memref_slice %arg2[%multiple_of3A_116] : memref<819200xi32, #tpu.memory_space<hbm>> -> memref<128xi32, #tpu.memory_space<hbm>>
          %dma_start3A_124 = tpu.memref_slice %arg2[%multiple_of3A_116] : memref<819200xi32, #tpu.memory_space<hbm>> -> memref<128xi32, #tpu.memory_space<hbm>>
          tpu.enqueue_dma source(%dma_start3A_124 : memref<128xi32, #tpu.memory_space<hbm>>) target(%arg7 : memref<128xi32, #tpu.memory_space<vmem>>) target_semaphore(%run_scoped3A : memref<!tpu.dma_semaphore, #tpu.memory_space<semaphore_mem>>)
          %dma_wait3A_125 = tpu.memref_slice %arg2[%multiple_of3A_116] : memref<819200xi32, #tpu.memory_space<hbm>> -> memref<128xi32, #tpu.memory_space<hbm>>
          %dma_wait3A_126 = tpu.memref_slice %arg2[%multiple_of3A_116] : memref<819200xi32, #tpu.memory_space<hbm>> -> memref<128xi32, #tpu.memory_space<hbm>>
          tpu.wait_dma2 semaphore(%run_scoped3A : memref<!tpu.dma_semaphore, #tpu.memory_space<semaphore_mem>>) src(%dma_wait3A_126 : memref<128xi32, #tpu.memory_space<hbm>>) dst(%arg7 : memref<128xi32, #tpu.memory_space<vmem>>)
          tpu.yield
        }) : () -> ()
        "tpu.region"() ({
          %run_scoped3A = tpu.sem_alloc : memref<!tpu.dma_semaphore, #tpu.memory_space<semaphore_mem>>
          %dma_start3A_123 = tpu.memref_slice %arg3[%multiple_of3A_116] : memref<819200xi32, #tpu.memory_space<hbm>> -> memref<128xi32, #tpu.memory_space<hbm>>
          %dma_start3A_124 = tpu.memref_slice %arg3[%multiple_of3A_116] : memref<819200xi32, #tpu.memory_space<hbm>> -> memref<128xi32, #tpu.memory_space<hbm>>
          tpu.enqueue_dma source(%dma_start3A_124 : memref<128xi32, #tpu.memory_space<hbm>>) target(%arg9 : memref<128xi32, #tpu.memory_space<vmem>>) target_semaphore(%run_scoped3A : memref<!tpu.dma_semaphore, #tpu.memory_space<semaphore_mem>>)
          %dma_wait3A_125 = tpu.memref_slice %arg3[%multiple_of3A_116] : memref<819200xi32, #tpu.memory_space<hbm>> -> memref<128xi32, #tpu.memory_space<hbm>>
          %dma_wait3A_126 = tpu.memref_slice %arg3[%multiple_of3A_116] : memref<819200xi32, #tpu.memory_space<hbm>> -> memref<128xi32, #tpu.memory_space<hbm>>
          tpu.wait_dma2 semaphore(%run_scoped3A : memref<!tpu.dma_semaphore, #tpu.memory_space<semaphore_mem>>) src(%dma_wait3A_126 : memref<128xi32, #tpu.memory_space<hbm>>) dst(%arg9 : memref<128xi32, #tpu.memory_space<vmem>>)
          tpu.yield
        }) : () -> ()
        %dma_start3A_117 = arith.constant 0 : i32
        %dma_start3A_118 = arith.constant 0 : i32
        %dma_start3A_119 = tpu.memref_slice %arg4[%dma_start3A_117, %dma_start3A_118] : memref<100000x128xf32, #tpu.memory_space<hbm>> -> memref<100000x128xf32, #tpu.memory_space<hbm>>
        tpu.enqueue_indirect_dma source(%dma_start3A_119 : memref<100000x128xf32, #tpu.memory_space<hbm>>) target(%arg11 : memref<128x128xf32, #tpu.memory_space<vmem>>) offsets(%arg7 : memref<128xi32, #tpu.memory_space<vmem>>) semaphore(%arg17 : memref<!tpu.dma_semaphore, #tpu.memory_space<semaphore_mem>>)
        %dma_start3A_120 = arith.constant 0 : i32
        %dma_start3A_121 = arith.constant 0 : i32
        %dma_start3A_122 = tpu.memref_slice %arg5[%dma_start3A_120, %dma_start3A_121] : memref<1024x128xf32, #tpu.memory_space<hbm>> -> memref<1024x128xf32, #tpu.memory_space<hbm>>
        tpu.enqueue_indirect_dma source(%dma_start3A_122 : memref<1024x128xf32, #tpu.memory_space<hbm>>) target(%arg13 : memref<128x128xf32, #tpu.memory_space<vmem>>) offsets(%arg9 : memref<128xi32, #tpu.memory_space<vmem>>) semaphore(%arg19 : memref<!tpu.dma_semaphore, #tpu.memory_space<semaphore_mem>>)
      } else {
      }
      %mul3A_73 = arith.constant 2 : i32
      %mul3A_74 = arith.muli %scan3A_38, %mul3A_73 : i32
      %add3A_75 = arith.constant 1 : i32
      %add3A_76 = arith.addi %mul3A_74, %add3A_75 : i32
      %ge3A_77 = arith.constant 1 : i32
      %ge3A_78 = arith.cmpi sge, %scan3A_38, %ge3A_77 : i32
      %convert_element_type3A_79 = arith.extui %ge3A_78 : i1 to i32
      %cond3A_80 = arith.constant 0 : i32
      %cond3A_81 = arith.cmpi ne, %convert_element_type3A_79, %cond3A_80 : i32
      scf.if %cond3A_81 {
        %sub3A = arith.constant 2 : i32
        %sub3A_111 = arith.subi %add3A_76, %sub3A : i32
        %mul3A_112 = arith.constant 128 : i32
        %mul3A_113 = arith.muli %sub3A_111, %mul3A_112 : i32
        %add3A_114 = arith.addi %mul3A_2, %mul3A_113 : i32
        %multiple_of3A_115 = tpu.assume_multiple %add3A_114, 128 : i32
        %dma_wait3A_116 = arith.constant 0 : i32
        %dma_wait3A_117 = tpu.memref_slice %arg6[%multiple_of3A_115, %dma_wait3A_116] : memref<819200x128xf32, #tpu.memory_space<hbm>> -> memref<128x128xf32, #tpu.memory_space<hbm>>
        %dma_wait3A_118 = arith.constant 0 : i32
        %dma_wait3A_119 = tpu.memref_slice %arg6[%multiple_of3A_115, %dma_wait3A_118] : memref<819200x128xf32, #tpu.memory_space<hbm>> -> memref<128x128xf32, #tpu.memory_space<hbm>>
        tpu.wait_dma2 semaphore(%arg22 : memref<!tpu.dma_semaphore, #tpu.memory_space<semaphore_mem>>) src(%arg16 : memref<128x128xf32, #tpu.memory_space<vmem>>) dst(%dma_wait3A_119 : memref<128x128xf32, #tpu.memory_space<hbm>>)
      } else {
      }
      %dma_wait3A_82 = arith.constant 0 : i32
      %dma_wait3A_83 = arith.constant 0 : i32
      %dma_wait3A_84 = tpu.memref_slice %arg4[%dma_wait3A_82, %dma_wait3A_83] : memref<100000x128xf32, #tpu.memory_space<hbm>> -> memref<100000x128xf32, #tpu.memory_space<hbm>>
      tpu.wait_indirect_dma semaphore(%arg18 : memref<!tpu.dma_semaphore, #tpu.memory_space<semaphore_mem>>) src(%dma_wait3A_84 : memref<100000x128xf32, #tpu.memory_space<hbm>>) dst(%arg12 : memref<128x128xf32, #tpu.memory_space<vmem>>)
      %dma_wait3A_85 = arith.constant 0 : i32
      %dma_wait3A_86 = arith.constant 0 : i32
      %dma_wait3A_87 = tpu.memref_slice %arg5[%dma_wait3A_85, %dma_wait3A_86] : memref<1024x128xf32, #tpu.memory_space<hbm>> -> memref<1024x128xf32, #tpu.memory_space<hbm>>
      tpu.wait_indirect_dma semaphore(%arg20 : memref<!tpu.dma_semaphore, #tpu.memory_space<semaphore_mem>>) src(%dma_wait3A_87 : memref<1024x128xf32, #tpu.memory_space<hbm>>) dst(%arg14 : memref<128x128xf32, #tpu.memory_space<vmem>>)
      %scan3A_88 = arith.constant 0 : i32
      %scan3A_89 = arith.constant 0 : i32
      %scan3A_90 = arith.constant 128 : i32
      %scan3A_91 = arith.addi %scan3A_89, %scan3A_90 : i32
      %scan3A_92 = arith.constant 1 : i32
      %scan3A_93 = scf.for %scan3A_111 = %scan3A_89 to %scan3A_91 step %scan3A_92 iter_args(%scan3A_112 = %scan3A_88) -> (i32)  : i32 {
        %get3A = arith.index_cast %scan3A_111 : i32 to index
        %get3A_113 = arith.constant 0 : index
        %get3A_114 = tpu.vector_load %arg12[%get3A, %get3A_113] {strides = array<i32>} : memref<128x128xf32, #tpu.memory_space<vmem>>, vector<1x16xf32>,
        %get3A_115 = vector.shape_cast %get3A_114 : vector<1x16xf32> to vector<16xf32>
        %get3A_116 = arith.index_cast %scan3A_111 : i32 to index
        %get3A_117 = arith.constant 0 : index
        %get3A_118 = tpu.vector_load %arg14[%get3A_116, %get3A_117] {strides = array<i32>} : memref<128x128xf32, #tpu.memory_space<vmem>>, vector<1x16xf32>,
        %get3A_119 = vector.shape_cast %get3A_118 : vector<1x16xf32> to vector<16xf32>
        %add3A_120 = arith.addf %get3A_115, %get3A_119 : vector<16xf32>
        %swap3A = arith.index_cast %scan3A_111 : i32 to index
        %swap3A_121 = arith.constant 0 : index
        %swap3A_122 = tpu.vector_load %arg16[%swap3A, %swap3A_121] {strides = array<i32>} : memref<128x128xf32, #tpu.memory_space<vmem>>, vector<1x16xf32>,
        %swap3A_123 = vector.shape_cast %swap3A_122 : vector<1x16xf32> to vector<16xf32>
        %swap3A_124 = vector.shape_cast %add3A_120 : vector<16xf32> to vector<1x16xf32>
        tpu.vector_store %arg16[%swap3A, %swap3A_121], %swap3A_124 {strides = array<i32>} : memref<128x128xf32, #tpu.memory_space<vmem>>, vector<1x16xf32>,
        %get3A_125 = arith.index_cast %scan3A_111 : i32 to index
        %get3A_126 = arith.constant 16 : index
        %get3A_127 = tpu.vector_load %arg12[%get3A_125, %get3A_126] {strides = array<i32>} : memref<128x128xf32, #tpu.memory_space<vmem>>, vector<1x16xf32>,
        %get3A_128 = vector.shape_cast %get3A_127 : vector<1x16xf32> to vector<16xf32>
        %get3A_129 = arith.index_cast %scan3A_111 : i32 to index
        %get3A_130 = arith.constant 16 : index
        %get3A_131 = tpu.vector_load %arg14[%get3A_129, %get3A_130] {strides = array<i32>} : memref<128x128xf32, #tpu.memory_space<vmem>>, vector<1x16xf32>,
        %get3A_132 = vector.shape_cast %get3A_131 : vector<1x16xf32> to vector<16xf32>
        %add3A_133 = arith.addf %get3A_128, %get3A_132 : vector<16xf32>
        %swap3A_134 = arith.index_cast %scan3A_111 : i32 to index
        %swap3A_135 = arith.constant 16 : index
        %swap3A_136 = tpu.vector_load %arg16[%swap3A_134, %swap3A_135] {strides = array<i32>} : memref<128x128xf32, #tpu.memory_space<vmem>>, vector<1x16xf32>,
        %swap3A_137 = vector.shape_cast %swap3A_136 : vector<1x16xf32> to vector<16xf32>
        %swap3A_138 = vector.shape_cast %add3A_133 : vector<16xf32> to vector<1x16xf32>
        tpu.vector_store %arg16[%swap3A_134, %swap3A_135], %swap3A_138 {strides = array<i32>} : memref<128x128xf32, #tpu.memory_space<vmem>>, vector<1x16xf32>,
        %get3A_139 = arith.index_cast %scan3A_111 : i32 to index
        %get3A_140 = arith.constant 32 : index
        %get3A_141 = tpu.vector_load %arg12[%get3A_139, %get3A_140] {strides = array<i32>} : memref<128x128xf32, #tpu.memory_space<vmem>>, vector<1x16xf32>,
        %get3A_142 = vector.shape_cast %get3A_141 : vector<1x16xf32> to vector<16xf32>
        %get3A_143 = arith.index_cast %scan3A_111 : i32 to index
        %get3A_144 = arith.constant 32 : index
        %get3A_145 = tpu.vector_load %arg14[%get3A_143, %get3A_144] {strides = array<i32>} : memref<128x128xf32, #tpu.memory_space<vmem>>, vector<1x16xf32>,
        %get3A_146 = vector.shape_cast %get3A_145 : vector<1x16xf32> to vector<16xf32>
        %add3A_147 = arith.addf %get3A_142, %get3A_146 : vector<16xf32>
        %swap3A_148 = arith.index_cast %scan3A_111 : i32 to index
        %swap3A_149 = arith.constant 32 : index
        %swap3A_150 = tpu.vector_load %arg16[%swap3A_148, %swap3A_149] {strides = array<i32>} : memref<128x128xf32, #tpu.memory_space<vmem>>, vector<1x16xf32>,
        %swap3A_151 = vector.shape_cast %swap3A_150 : vector<1x16xf32> to vector<16xf32>
        %swap3A_152 = vector.shape_cast %add3A_147 : vector<16xf32> to vector<1x16xf32>
        tpu.vector_store %arg16[%swap3A_148, %swap3A_149], %swap3A_152 {strides = array<i32>} : memref<128x128xf32, #tpu.memory_space<vmem>>, vector<1x16xf32>,
        %get3A_153 = arith.index_cast %scan3A_111 : i32 to index
        %get3A_154 = arith.constant 48 : index
        %get3A_155 = tpu.vector_load %arg12[%get3A_153, %get3A_154] {strides = array<i32>} : memref<128x128xf32, #tpu.memory_space<vmem>>, vector<1x16xf32>,
        %get3A_156 = vector.shape_cast %get3A_155 : vector<1x16xf32> to vector<16xf32>
        %get3A_157 = arith.index_cast %scan3A_111 : i32 to index
        %get3A_158 = arith.constant 48 : index
        %get3A_159 = tpu.vector_load %arg14[%get3A_157, %get3A_158] {strides = array<i32>} : memref<128x128xf32, #tpu.memory_space<vmem>>, vector<1x16xf32>,
        %get3A_160 = vector.shape_cast %get3A_159 : vector<1x16xf32> to vector<16xf32>
        %add3A_161 = arith.addf %get3A_156, %get3A_160 : vector<16xf32>
        %swap3A_162 = arith.index_cast %scan3A_111 : i32 to index
        %swap3A_163 = arith.constant 48 : index
        %swap3A_164 = tpu.vector_load %arg16[%swap3A_162, %swap3A_163] {strides = array<i32>} : memref<128x128xf32, #tpu.memory_space<vmem>>, vector<1x16xf32>,
        %swap3A_165 = vector.shape_cast %swap3A_164 : vector<1x16xf32> to vector<16xf32>
        %swap3A_166 = vector.shape_cast %add3A_161 : vector<16xf32> to vector<1x16xf32>
        tpu.vector_store %arg16[%swap3A_162, %swap3A_163], %swap3A_166 {strides = array<i32>} : memref<128x128xf32, #tpu.memory_space<vmem>>, vector<1x16xf32>,
        %get3A_167 = arith.index_cast %scan3A_111 : i32 to index
        %get3A_168 = arith.constant 64 : index
        %get3A_169 = tpu.vector_load %arg12[%get3A_167, %get3A_168] {strides = array<i32>} : memref<128x128xf32, #tpu.memory_space<vmem>>, vector<1x16xf32>,
        %get3A_170 = vector.shape_cast %get3A_169 : vector<1x16xf32> to vector<16xf32>
        %get3A_171 = arith.index_cast %scan3A_111 : i32 to index
        %get3A_172 = arith.constant 64 : index
        %get3A_173 = tpu.vector_load %arg14[%get3A_171, %get3A_172] {strides = array<i32>} : memref<128x128xf32, #tpu.memory_space<vmem>>, vector<1x16xf32>,
        %get3A_174 = vector.shape_cast %get3A_173 : vector<1x16xf32> to vector<16xf32>
        %add3A_175 = arith.addf %get3A_170, %get3A_174 : vector<16xf32>
        %swap3A_176 = arith.index_cast %scan3A_111 : i32 to index
        %swap3A_177 = arith.constant 64 : index
        %swap3A_178 = tpu.vector_load %arg16[%swap3A_176, %swap3A_177] {strides = array<i32>} : memref<128x128xf32, #tpu.memory_space<vmem>>, vector<1x16xf32>,
        %swap3A_179 = vector.shape_cast %swap3A_178 : vector<1x16xf32> to vector<16xf32>
        %swap3A_180 = vector.shape_cast %add3A_175 : vector<16xf32> to vector<1x16xf32>
        tpu.vector_store %arg16[%swap3A_176, %swap3A_177], %swap3A_180 {strides = array<i32>} : memref<128x128xf32, #tpu.memory_space<vmem>>, vector<1x16xf32>,
        %get3A_181 = arith.index_cast %scan3A_111 : i32 to index
        %get3A_182 = arith.constant 80 : index
        %get3A_183 = tpu.vector_load %arg12[%get3A_181, %get3A_182] {strides = array<i32>} : memref<128x128xf32, #tpu.memory_space<vmem>>, vector<1x16xf32>,
        %get3A_184 = vector.shape_cast %get3A_183 : vector<1x16xf32> to vector<16xf32>
        %get3A_185 = arith.index_cast %scan3A_111 : i32 to index
        %get3A_186 = arith.constant 80 : index
        %get3A_187 = tpu.vector_load %arg14[%get3A_185, %get3A_186] {strides = array<i32>} : memref<128x128xf32, #tpu.memory_space<vmem>>, vector<1x16xf32>,
        %get3A_188 = vector.shape_cast %get3A_187 : vector<1x16xf32> to vector<16xf32>
        %add3A_189 = arith.addf %get3A_184, %get3A_188 : vector<16xf32>
        %swap3A_190 = arith.index_cast %scan3A_111 : i32 to index
        %swap3A_191 = arith.constant 80 : index
        %swap3A_192 = tpu.vector_load %arg16[%swap3A_190, %swap3A_191] {strides = array<i32>} : memref<128x128xf32, #tpu.memory_space<vmem>>, vector<1x16xf32>,
        %swap3A_193 = vector.shape_cast %swap3A_192 : vector<1x16xf32> to vector<16xf32>
        %swap3A_194 = vector.shape_cast %add3A_189 : vector<16xf32> to vector<1x16xf32>
        tpu.vector_store %arg16[%swap3A_190, %swap3A_191], %swap3A_194 {strides = array<i32>} : memref<128x128xf32, #tpu.memory_space<vmem>>, vector<1x16xf32>,
        %get3A_195 = arith.index_cast %scan3A_111 : i32 to index
        %get3A_196 = arith.constant 96 : index
        %get3A_197 = tpu.vector_load %arg12[%get3A_195, %get3A_196] {strides = array<i32>} : memref<128x128xf32, #tpu.memory_space<vmem>>, vector<1x16xf32>,
        %get3A_198 = vector.shape_cast %get3A_197 : vector<1x16xf32> to vector<16xf32>
        %get3A_199 = arith.index_cast %scan3A_111 : i32 to index
        %get3A_200 = arith.constant 96 : index
        %get3A_201 = tpu.vector_load %arg14[%get3A_199, %get3A_200] {strides = array<i32>} : memref<128x128xf32, #tpu.memory_space<vmem>>, vector<1x16xf32>,
        %get3A_202 = vector.shape_cast %get3A_201 : vector<1x16xf32> to vector<16xf32>
        %add3A_203 = arith.addf %get3A_198, %get3A_202 : vector<16xf32>
        %swap3A_204 = arith.index_cast %scan3A_111 : i32 to index
        %swap3A_205 = arith.constant 96 : index
        %swap3A_206 = tpu.vector_load %arg16[%swap3A_204, %swap3A_205] {strides = array<i32>} : memref<128x128xf32, #tpu.memory_space<vmem>>, vector<1x16xf32>,
        %swap3A_207 = vector.shape_cast %swap3A_206 : vector<1x16xf32> to vector<16xf32>
        %swap3A_208 = vector.shape_cast %add3A_203 : vector<16xf32> to vector<1x16xf32>
        tpu.vector_store %arg16[%swap3A_204, %swap3A_205], %swap3A_208 {strides = array<i32>} : memref<128x128xf32, #tpu.memory_space<vmem>>, vector<1x16xf32>,
        %get3A_209 = arith.index_cast %scan3A_111 : i32 to index
        %get3A_210 = arith.constant 112 : index
        %get3A_211 = tpu.vector_load %arg12[%get3A_209, %get3A_210] {strides = array<i32>} : memref<128x128xf32, #tpu.memory_space<vmem>>, vector<1x16xf32>,
        %get3A_212 = vector.shape_cast %get3A_211 : vector<1x16xf32> to vector<16xf32>
        %get3A_213 = arith.index_cast %scan3A_111 : i32 to index
        %get3A_214 = arith.constant 112 : index
        %get3A_215 = tpu.vector_load %arg14[%get3A_213, %get3A_214] {strides = array<i32>} : memref<128x128xf32, #tpu.memory_space<vmem>>, vector<1x16xf32>,
        %get3A_216 = vector.shape_cast %get3A_215 : vector<1x16xf32> to vector<16xf32>
        %add3A_217 = arith.addf %get3A_212, %get3A_216 : vector<16xf32>
        %swap3A_218 = arith.index_cast %scan3A_111 : i32 to index
        %swap3A_219 = arith.constant 112 : index
        %swap3A_220 = tpu.vector_load %arg16[%swap3A_218, %swap3A_219] {strides = array<i32>} : memref<128x128xf32, #tpu.memory_space<vmem>>, vector<1x16xf32>,
        %swap3A_221 = vector.shape_cast %swap3A_220 : vector<1x16xf32> to vector<16xf32>
        %swap3A_222 = vector.shape_cast %add3A_217 : vector<16xf32> to vector<1x16xf32>
        tpu.vector_store %arg16[%swap3A_218, %swap3A_219], %swap3A_222 {strides = array<i32>} : memref<128x128xf32, #tpu.memory_space<vmem>>, vector<1x16xf32>,
        %scan3A_223 = arith.constant 0 : i32
        scf.yield %scan3A_223 : i32
      }
      %scan3A_94 = arith.constant 128 : i32
      %mul3A_95 = arith.constant 128 : i32
      %mul3A_96 = arith.muli %add3A_76, %mul3A_95 : i32
      %add3A_97 = arith.addi %mul3A_2, %mul3A_96 : i32
      %multiple_of3A_98 = tpu.assume_multiple %add3A_97, 128 : i32
      %dma_start3A_99 = arith.constant 0 : i32
      %dma_start3A_100 = tpu.memref_slice %arg6[%multiple_of3A_98, %dma_start3A_99] : memref<819200x128xf32, #tpu.memory_space<hbm>> -> memref<128x128xf32, #tpu.memory_space<hbm>>
      %dma_start3A_101 = arith.constant 0 : i32
      %dma_start3A_102 = tpu.memref_slice %arg6[%multiple_of3A_98, %dma_start3A_101] : memref<819200x128xf32, #tpu.memory_space<hbm>> -> memref<128x128xf32, #tpu.memory_space<hbm>>
      tpu.enqueue_dma source(%arg16 : memref<128x128xf32, #tpu.memory_space<vmem>>) target(%dma_start3A_102 : memref<128x128xf32, #tpu.memory_space<hbm>>) target_semaphore(%arg22 : memref<!tpu.dma_semaphore, #tpu.memory_space<semaphore_mem>>)
      %add3A_103 = arith.constant 1 : i32
      %add3A_104 = arith.addi %scan3A_38, %add3A_103 : i32
      %lt3A_105 = arith.constant 100 : i32
      %lt3A_106 = arith.cmpi slt, %add3A_104, %lt3A_105 : i32
      %convert_element_type3A_107 = arith.extui %lt3A_106 : i1 to i32
      %cond3A_108 = arith.constant 0 : i32
      %cond3A_109 = arith.cmpi ne, %convert_element_type3A_107, %cond3A_108 : i32
      scf.if %cond3A_109 {
        %add3A_111 = arith.constant 2 : i32
        %add3A_112 = arith.addi %add3A_76, %add3A_111 : i32
        %mul3A_113 = arith.constant 128 : i32
        %mul3A_114 = arith.muli %add3A_112, %mul3A_113 : i32
        %add3A_115 = arith.addi %mul3A_2, %mul3A_114 : i32
        %multiple_of3A_116 = tpu.assume_multiple %add3A_115, 128 : i32
        "tpu.region"() ({
          %run_scoped3A = tpu.sem_alloc : memref<!tpu.dma_semaphore, #tpu.memory_space<semaphore_mem>>
          %dma_start3A_123 = tpu.memref_slice %arg2[%multiple_of3A_116] : memref<819200xi32, #tpu.memory_space<hbm>> -> memref<128xi32, #tpu.memory_space<hbm>>
          %dma_start3A_124 = tpu.memref_slice %arg2[%multiple_of3A_116] : memref<819200xi32, #tpu.memory_space<hbm>> -> memref<128xi32, #tpu.memory_space<hbm>>
          tpu.enqueue_dma source(%dma_start3A_124 : memref<128xi32, #tpu.memory_space<hbm>>) target(%arg8 : memref<128xi32, #tpu.memory_space<vmem>>) target_semaphore(%run_scoped3A : memref<!tpu.dma_semaphore, #tpu.memory_space<semaphore_mem>>)
          %dma_wait3A_125 = tpu.memref_slice %arg2[%multiple_of3A_116] : memref<819200xi32, #tpu.memory_space<hbm>> -> memref<128xi32, #tpu.memory_space<hbm>>
          %dma_wait3A_126 = tpu.memref_slice %arg2[%multiple_of3A_116] : memref<819200xi32, #tpu.memory_space<hbm>> -> memref<128xi32, #tpu.memory_space<hbm>>
          tpu.wait_dma2 semaphore(%run_scoped3A : memref<!tpu.dma_semaphore, #tpu.memory_space<semaphore_mem>>) src(%dma_wait3A_126 : memref<128xi32, #tpu.memory_space<hbm>>) dst(%arg8 : memref<128xi32, #tpu.memory_space<vmem>>)
          tpu.yield
        }) : () -> ()
        "tpu.region"() ({
          %run_scoped3A = tpu.sem_alloc : memref<!tpu.dma_semaphore, #tpu.memory_space<semaphore_mem>>
          %dma_start3A_123 = tpu.memref_slice %arg3[%multiple_of3A_116] : memref<819200xi32, #tpu.memory_space<hbm>> -> memref<128xi32, #tpu.memory_space<hbm>>
          %dma_start3A_124 = tpu.memref_slice %arg3[%multiple_of3A_116] : memref<819200xi32, #tpu.memory_space<hbm>> -> memref<128xi32, #tpu.memory_space<hbm>>
          tpu.enqueue_dma source(%dma_start3A_124 : memref<128xi32, #tpu.memory_space<hbm>>) target(%arg10 : memref<128xi32, #tpu.memory_space<vmem>>) target_semaphore(%run_scoped3A : memref<!tpu.dma_semaphore, #tpu.memory_space<semaphore_mem>>)
          %dma_wait3A_125 = tpu.memref_slice %arg3[%multiple_of3A_116] : memref<819200xi32, #tpu.memory_space<hbm>> -> memref<128xi32, #tpu.memory_space<hbm>>
          %dma_wait3A_126 = tpu.memref_slice %arg3[%multiple_of3A_116] : memref<819200xi32, #tpu.memory_space<hbm>> -> memref<128xi32, #tpu.memory_space<hbm>>
          tpu.wait_dma2 semaphore(%run_scoped3A : memref<!tpu.dma_semaphore, #tpu.memory_space<semaphore_mem>>) src(%dma_wait3A_126 : memref<128xi32, #tpu.memory_space<hbm>>) dst(%arg10 : memref<128xi32, #tpu.memory_space<vmem>>)
          tpu.yield
        }) : () -> ()
        %dma_start3A_117 = arith.constant 0 : i32
        %dma_start3A_118 = arith.constant 0 : i32
        %dma_start3A_119 = tpu.memref_slice %arg4[%dma_start3A_117, %dma_start3A_118] : memref<100000x128xf32, #tpu.memory_space<hbm>> -> memref<100000x128xf32, #tpu.memory_space<hbm>>
        tpu.enqueue_indirect_dma source(%dma_start3A_119 : memref<100000x128xf32, #tpu.memory_space<hbm>>) target(%arg12 : memref<128x128xf32, #tpu.memory_space<vmem>>) offsets(%arg8 : memref<128xi32, #tpu.memory_space<vmem>>) semaphore(%arg18 : memref<!tpu.dma_semaphore, #tpu.memory_space<semaphore_mem>>)
        %dma_start3A_120 = arith.constant 0 : i32
        %dma_start3A_121 = arith.constant 0 : i32
        %dma_start3A_122 = tpu.memref_slice %arg5[%dma_start3A_120, %dma_start3A_121] : memref<1024x128xf32, #tpu.memory_space<hbm>> -> memref<1024x128xf32, #tpu.memory_space<hbm>>
        tpu.enqueue_indirect_dma source(%dma_start3A_122 : memref<1024x128xf32, #tpu.memory_space<hbm>>) target(%arg14 : memref<128x128xf32, #tpu.memory_space<vmem>>) offsets(%arg10 : memref<128xi32, #tpu.memory_space<vmem>>) semaphore(%arg20 : memref<!tpu.dma_semaphore, #tpu.memory_space<semaphore_mem>>)
      } else {
      }
      %scan3A_110 = arith.constant 0 : i32
      scf.yield %scan3A_110 : i32
    }
    %scan3A_24 = arith.constant 100 : i32
    %add3A_25 = arith.constant 25344 : i32
    %add3A_26 = arith.addi %mul3A_2, %add3A_25 : i32
    %multiple_of3A_27 = tpu.assume_multiple %add3A_26, 128 : i32
    %dma_wait3A = arith.constant 0 : i32
    %dma_wait3A_28 = tpu.memref_slice %arg6[%multiple_of3A_27, %dma_wait3A] : memref<819200x128xf32, #tpu.memory_space<hbm>> -> memref<128x128xf32, #tpu.memory_space<hbm>>
    %dma_wait3A_29 = arith.constant 0 : i32
    %dma_wait3A_30 = tpu.memref_slice %arg6[%multiple_of3A_27, %dma_wait3A_29] : memref<819200x128xf32, #tpu.memory_space<hbm>> -> memref<128x128xf32, #tpu.memory_space<hbm>>
    tpu.wait_dma2 semaphore(%arg21 : memref<!tpu.dma_semaphore, #tpu.memory_space<semaphore_mem>>) src(%arg15 : memref<128x128xf32, #tpu.memory_space<vmem>>) dst(%dma_wait3A_30 : memref<128x128xf32, #tpu.memory_space<hbm>>)
    %add3A_31 = arith.constant 25472 : i32
    %add3A_32 = arith.addi %mul3A_2, %add3A_31 : i32
    %multiple_of3A_33 = tpu.assume_multiple %add3A_32, 128 : i32
    %dma_wait3A_34 = arith.constant 0 : i32
    %dma_wait3A_35 = tpu.memref_slice %arg6[%multiple_of3A_33, %dma_wait3A_34] : memref<819200x128xf32, #tpu.memory_space<hbm>> -> memref<128x128xf32, #tpu.memory_space<hbm>>
    %dma_wait3A_36 = arith.constant 0 : i32
    %dma_wait3A_37 = tpu.memref_slice %arg6[%multiple_of3A_33, %dma_wait3A_36] : memref<819200x128xf32, #tpu.memory_space<hbm>> -> memref<128x128xf32, #tpu.memory_space<hbm>>
    tpu.wait_dma2 semaphore(%arg22 : memref<!tpu.dma_semaphore, #tpu.memory_space<semaphore_mem>>) src(%arg16 : memref<128x128xf32, #tpu.memory_space<vmem>>) dst(%dma_wait3A_37 : memref<128x128xf32, #tpu.memory_space<hbm>>)
    return
  }
}

</mosaic_0001>

<sc_bundles>
// kernel: kernel.3.cloned.1.call-start
scs
__scs_entry_jumppad:
0x0: {  	(pc) =	sbr.rel $0x88, $3  }
0x1: {  	(tag) =	ssettag $0x0;
	lr =	simm.s32 $0x1  }
0x2: {  	[smem:$0x3F9B] =	sst lr;
	_ =	strace $0xD0000000  }
0x3: {  	_ = 	snop  }
0x4: {  	_ = 	snop  }
0x5: {  	_ = 	snop  }
0x6: {  	_ = 	snop  }
0x7: {  	_ = 	snop  }
__scs_overlays_trampoline_lowered:
0x8: {  	[smem:$0x3FAA] =	sst s0  }
0x9: {  	[smem:$0x3FAB] =	sst s1  }
0xa: {  	[smem:$0x3FAC] =	sst s2  }
0xb: {  	[smem:$0x3FAD] =	sst s3  }
0xc: {  	[smem:$0x3FAE] =	sst s4  }
0xd: {  	[smem:$0x3FAF] =	sst s5  }
0xe: {  	[smem:$0x3FB0] =	sst s6  }
0xf: {  	[smem:$0x3FB1] =	sst s7  }
0x10: {  	[smem:$0x3FB2] =	sst s8  }
0x11: {  	[smem:$0x3FB3] =	sst s9;
	s0 =	simm.s32 @!p0 $0x0  }
0x12: {  	s1 =	sld [smem:$0x3F99];
	s0 =	simm.s32 @p0 $0x1  }
0x13: {  	[smem:$0x3FB4] =	sst s0;
	s0 =	simm.s32 @!p1 $0x0  }
0x14: {  	s2 =	sld [smem:$0x3F98];
	s0 =	simm.s32 @p1 $0x1  }
0x15: {  	[smem:$0x3FB5] =	sst s0;
	s0 =	simm.s32 @!p2 $0x0  }
0x16: {  	s3 =	sld [smem:$0x3FDB];
	s0 =	simm.s32 @p2 $0x1  }
0x17: {  	s4 =	simm.s32 $0x1BF5;
	[smem:$0x3FB7] =	sst s0  }
0x18: {  	s0 =	sld [smem:$0x3F9A];
	_ =	swait.ge [sflag:s4], $0x0  }
0x19: {  	s7 =	sld [smem:$0x3F9B]  }
0x1a: {  	s8 =	sadd.s32 $0xFFFFE003, lr  }
0x1b: {  	s9 =	sadd.s32 $0xFFFFFEF7, lr;
	s5 =	simm.s32 $0xFFFFFFFF;
	p2 =	slt.u32 s8, $0xFFFFF086  }
0x1c: {  	p1 =	slt.u32 s9, $0xF7A;
	s5 =	simm.s32 @!p2 $0x0  }
0x1d: {  	s5 =	simm.s32 @p1 $0x1;
	p0 =	seq.s32 s7, s2  }
0x1e: {  	s7 =	smul.u32 @!p0 $0xF7A, s2;
	p2 =	seq.s32 @!p0 s5, $0x0  }
0x1f: {  	s9 =	smul.u32 $0xF7A, s1;
	s8 =	simm.s32 @!p0 $0x1BF5;
	p2 =	por !p2, p0  }
0x20: {  	[sflag:s8] =	ssyncset.s32 @!p0 $0xFFFFF086;
	s6 =	sadd.s32 @!p0 s3, s7;
	s7 =	simm.s32 @!p0 $0x108  }
0x21: {  	s3 =	sadd.s32 s3, s9;
	s6 =	sadd.s32 @!p0 $0x88, s6;
	s7 =	simm.s32 @p2 $0x1082  }
0x22: {  	[simem:s7], [sflag:s8] =	dma.local @!p0 [hbm:s6], $0xF7A  }
0x23: {  	s9 =	sor.u32 $0xD0000000, s2;
	s6 =	simm.s32 $0x108;
	_ =	swait.ge @!p0 [sflag:s8], $0x0  }
0x24: {  	s3 =	sadd.s32 $0x88, s3;
	s6 =	simm.s32 @!p1 $0x1082;
	[sflag:s4] =	ssyncset.s32 $0xFFFFF086  }
0x25: {  	[simem:s6], [sflag:s4] =	dma.local [hbm:s3], $0xF7A  }
0x26: {  	[smem:$0x3F9B] =	sst s1;
	(tag) =	ssettag s2;
	_ =	strace s9  }
0x27: {  	s1 =	sld [smem:$0x3FAB]  }
0x28: {  	s2 =	sld [smem:$0x3FAC]  }
0x29: {  	s4 =	sld [smem:$0x3FAE]  }
0x2a: {  	p0 =	seq.s32 s5, $0x0;
	s5 =	sld [smem:$0x3FAF]  }
0x2b: {  	s6 =	sld [smem:$0x3FB0]  }
0x2c: {  	s7 =	sld [smem:$0x3FB1]  }
0x2d: {  	s3 =	simm.s32 $0x108;
	s8 =	sld [smem:$0x3FB2]  }
0x2e: {  	s3 =	simm.s32 @!p0 $0x1082;
	s9 =	sld [smem:$0x3FB3]  }
0x2f: {  	lr =	sadd.s32 s0, s3;
	s0 =	sld [smem:$0x3FAA]  }
0x30: {  	s3 =	sld [smem:$0x3FAD]  }
0x31: {  	[smem:$0x3FB6] =	sst s10  }
0x32: {  	s10 =	sld [smem:$0x3FB4];
	_ =	sdelay $0x3  }
0x33: {  	p0 =	seq.s32 s10, $0x1;
	s10 =	sld [smem:$0x3FB6];
	_ =	sdelay $0x3  }
0x34: {  	[smem:$0x3FB6] =	sst s10  }
0x35: {  	s10 =	sld [smem:$0x3FB5];
	_ =	sdelay $0x3  }
0x36: {  	p1 =	seq.s32 s10, $0x1;
	s10 =	sld [smem:$0x3FB6];
	_ =	sdelay $0x3  }
0x37: {  	[smem:$0x3FB6] =	sst s10  }
0x38: {  	s10 =	sld [smem:$0x3FB7]  }
0x39: {  	_ = 	snop;
	(pc) =	sbr.ind lr, $3  }
0x3a: {  	_ = 	snop  }
0x3b: {  	_ = 	snop  }
0x3c: {  	p2 =	seq.s32 s10, $0x1;
	s10 =	sld [smem:$0x3FB6]  }
0x3d: {  	_ =	shalt  }
0x3e: {  	_ =	shalt  }
0x3f: {  	_ =	shalt  }
0x40: {  	_ =	shalt  }
0x41: {  	_ =	shalt  }
0x42: {  	_ =	shalt  }
0x43: {  	_ =	shalt  }
0x44: {  	_ =	shalt  }
0x45: {  	_ =	shalt  }
0x46: {  	_ =	shalt  }
0x47: {  	_ =	shalt  }
0x48: {  	_ =	shalt  }
0x49: {  	_ =	shalt  }
0x4a: {  	_ =	shalt  }
0x4b: {  	_ =	shalt  }
0x4c: {  	_ =	shalt  }
0x4d: {  	_ =	shalt  }
0x4e: {  	_ =	shalt  }
0x4f: {  	_ =	shalt  }
0x50: {  	_ =	shalt  }
0x51: {  	_ =	shalt  }
0x52: {  	_ =	shalt  }
0x53: {  	_ =	shalt  }
0x54: {  	_ =	shalt  }
0x55: {  	_ =	shalt  }
0x56: {  	_ =	shalt  }
0x57: {  	_ =	shalt  }
0x58: {  	_ =	shalt  }
0x59: {  	_ =	shalt  }
0x5a: {  	_ =	shalt  }
0x5b: {  	_ =	shalt  }
0x5c: {  	_ =	shalt  }
0x5d: {  	_ =	shalt  }
0x5e: {  	_ =	shalt  }
0x5f: {  	_ =	shalt  }
0x60: {  	_ =	shalt  }
0x61: {  	_ =	shalt  }
0x62: {  	_ =	shalt  }
0x63: {  	_ =	shalt  }
0x64: {  	_ =	shalt  }
0x65: {  	_ =	shalt  }
0x66: {  	_ =	shalt  }
0x67: {  	_ =	shalt  }
0x68: {  	_ =	shalt  }
0x69: {  	_ =	shalt  }
0x6a: {  	_ =	shalt  }
0x6b: {  	_ =	shalt  }
0x6c: {  	_ =	shalt  }
0x6d: {  	_ =	shalt  }
0x6e: {  	_ =	shalt  }
0x6f: {  	_ =	shalt  }
0x70: {  	_ =	shalt  }
0x71: {  	_ =	shalt  }
0x72: {  	_ =	shalt  }
0x73: {  	_ =	shalt  }
0x74: {  	_ =	shalt  }
0x75: {  	_ =	shalt  }
0x76: {  	_ =	shalt  }
0x77: {  	_ =	shalt  }
0x78: {  	_ =	shalt  }
0x79: {  	_ =	shalt  }
0x7a: {  	_ =	shalt  }
0x7b: {  	_ =	shalt  }
0x7c: {  	_ =	shalt  }
0x7d: {  	_ =	shalt  }
0x7e: {  	_ =	shalt  }
0x7f: {  	_ =	shalt  }
0x80: {  	_ =	shalt  }
0x81: {  	_ =	shalt  }
0x82: {  	_ =	shalt  }
0x83: {  	_ =	shalt  }
0x84: {  	_ =	shalt  }
0x85: {  	_ =	shalt  }
0x86: {  	_ =	shalt  }
0x87: {  	_ =	shalt  }
.Lfunc_end0:
.L_simem_size_0:
called_computation_lowered:
.L_overlay_start_0:
0x88: {  	s2 =	sld [smem:$0x3FD9]  }
0x89: {  	s3 =	sld [smem:$0x3FFE];
	_ =	sdelay $0x1  }
0x8a: {  	s1 =	srdreg.scid  }
0x8b: {  	s0 =	sand.u32 $0x1, s1  }
0x8c: {  	s17 =	sshll.u32 s0, $0xA;
	s2 =	sadd.s32 s3, s2  }
0x8d: {  	s2 =	sadd.s32 s2, s17  }
0x8e: {  	[smem:$0x3FC2] =	sst s2  }
0x8f: {  	_ = 	snop  }
0x90: {  	s2 =	sld [smem:$0x3FC6]  }
0x91: {  	s18 =	sld [smem:$0x3FD0];
	(tm) =	ssettm $0x1  }
0x92: {  	s4 =	sld [smem:$0x3FFB];
	_ =	sdelay $0x3  }
0x93: {  	_ =	strace s4  }
0x94: {  	s4 =	sld [smem:$0x3FFC];
	_ =	sdelay $0x3  }
0x95: {  	_ =	strace s4  }
0x96: {  	s4 =	sld [smem:$0x3FFD];
	_ =	sdelay $0x3  }
0x97: {  	_ =	strace s4  }
0x98: {  	_ =	strace $0x8FFFFFFF  }
0x99: {  	s19 =	sld [smem:$0x3FDB];
	_ =	sdelay $0x1  }
0x9a: {  	s5 =	simm.s32 $_scs_section_size  }
0x9b: {  	s6 =	simm.s32 $_size__tile_overlayer_lowered;
	s7 =	simm.s32 $_tile_overlayer_lowered  }
0x9c: {  	s22 =	simm.s32 $0x1BFF;
	s21 =	sshll.u32 s7, $0x1;
	s4 =	sadd.s32 s5, s19  }
0x9d: {  	s8 =	simm.s32 $0x0;
	s20 =	sshll.u32 s6, $0x1;
	s6 =	sadd.s32 s21, s4  }
0x9e: {  	[timem:s8], [sflag:s22] =	dma.local [hbm:s6], s20  }
0x9f: {  	_ =	swait.ge [sflag:s22], s20  }
0xa0: {  	s5 =	ssub.s32 $0x0, s20;
	[sflag:s22] =	ssyncset.done $0x0  }
0xa1: {  	[sflag:s22] =	ssyncadd.s32 s5;
	_ =	sdelay $0x1  }
0xa2: {  	s23 =	simm.s32 $0x1B8B  }
0xa3: {  	_ =	swait.ge [sflag:s23], $0x1  }
0xa4: {  	[sflag:s23] =	ssyncset.done $0x0  }
0xa5: {  	s25 =	simm.s32 $0x1B8E;
	s24 =	sld [smem:$0x3FFE];
	[sflag:s23] =	ssyncadd.s32 $0xFFFFFFFF  }
0xa6: {  	s26 =	simm.s32 $execute0_lowered;
	[smem:$0x3FD2] =	sst s25  }
0xa7: {  	s6 =	sshll.u32 s26, $0x1;
	_ =	strace $0x80000046;
	[dreg:$0x1] =	wrdreg $0xFFFFFFFF  }
0xa8: {  	s28 =	simm.s32 $_size_execute0_lowered;
	s4 =	sadd.s32 s4, s6;
	[dreg:$0x0] =	wrdreg $0x0  }
0xa9: {  	s6 =	sshll.u32 s28, $0x1;
	[dreg:$0x2] =	wrdreg s4  }
0xaa: {  	[dreg:$0x3] =	wrdreg s6  }
0xab: {  	[dreg:$0x4] =	wrdreg $0xC0  }
0xac: {  	_ =	task [dreg:s8], $0x5FFFF  }
0xad: {  	[dreg:$0x1] =	wrdreg $0xFFFFFFFF  }
0xae: {  	[dreg:$0x0] =	wrdreg $0x60  }
0xaf: {  	[dreg:$0x2] =	wrdreg s24  }
0xb0: {  	[dreg:$0x3] =	wrdreg s2  }
0xb1: {  	[dreg:$0x4] =	wrdreg s18  }
0xb2: {  	[dreg:$0x5] =	wrdreg $0x9  }
0xb3: {  	_ =	task.clear_ibuf [dreg:s8], $0x6FFFF;
	_ =	strace $0x90000046  }
0xb4: {  	s29 =	simm.s32 $0x9;
	_ =	strace $0x80000048  }
0xb5: {  	_ =	swait.ge [sflag:s29], $0x1  }
0xb6: {  	[sflag:s29] =	ssyncadd.s32 $0xFFFFFFFF  }
0xb7: {  	_ =	strace $0x90000048  }
0xb8: {  	_ =	sfence  }
0xb9: {  	s30 =	sld [smem:$0x0];
	_ =	sdelay $0x2  }
0xba: {  	s31 =	sshll.u32 s1, $0xD;
	s1 =	sshrl.u32 s1, $0x2  }
0xbb: {  	s3 =	sand.u32 $0x4000, s31;
	s1 =	sadd.s32 s1, s30  }
0xbc: {  	s0 =	sor.u32 s3, s0;
	s1 =	sshll.u32 s1, $0x11  }
0xbd: {  	s0 =	sor.u32 s1, s0  }
0xbe: {  	s0 =	sadd.s32 $0x8F2B, s0  }
0xbf: {  	[sflag:s0] =	ssyncadd.remote.s32 $0x1  }
0xc0: {  	_ =	sfence.sel $0xFFFF  }
0xc1: {  	[dreg:$0x0] =	wrdreg $0xFFFFFFFF;
	(pc) =	sbr.abs _section_cstart, $3  }
0xc2: {  	[dreg:$0x1] =	wrdreg $0xFFFFFFFF  }
0xc3: {  	_ =	task.clear_ibuf [dreg:s8], $0x2FFFF;
	_ =	strace $0x9FFFFFFF  }
0xc4: {  	(tm) =	ssettm $0x7FFFFFFF  }
0xc5: {  	_ =	shalt  }
tec
execute0_lowered:
.L_overlay_start_1:
0x0: {  	(tag) =	ssettag $0x1  }
0x1: {  	s0 =	rddreg [dreg:$0x0]  }
0x2: {  	s2 =	rddreg [dreg:$0x1]  }
0x3: {  	s3 =	rddreg [dreg:$0x2]  }
0x4: {  	s1 =	srdreg.scid;
	s5 =	stileid.u32;
	s4 =	simm.s32 $0x0  }
0x5: {  	s17 =	simm.s32 $0x7;
	s18 =	simm.s32 $0x100;
	s19 =	simm.s32 $0x80  }
0x6: {  	s28 =	simm.s32 $0x10200;
	s29 =	simm.s32 $0x2;
	s30 =	simm.s32 $0x4  }
0x7: {  	s31 =	simm.s32 $0x14200;
	s20 =	simm.s32 $0x0;
	s1 =	sand.u32 $0x1, s1  }
0x8: {  	s5 =	sshll.u32 s5, $0x1;
	[smem:$0x7FF] =	sst s4;
	s6 =	sadd.s32 $0xA00, s0  }
0x9: {  	s7 =	sadd.s32 $0x32A00, s0;
	s8 =	sor.u32 s1, s5;
	_ =	strace $0x80000047  }
0xa: {  	s1 =	ssub.s32 $0x2, s1;
	s5 =	sadd.s32 $0x19A00, s0;
	s9 =	smul.u32 $0x6400, s8  }
0xb: {  	s0 =	simm.s32 $0x5;
	s10 =	sshrl.u32 s1, $0x1;
	s12 =	smul.u32 $0x320000, s8  }
0xc: {  	s22 =	ssub.s32 s1, s10;
	s23 =	sshrl.u32 s9, $0x3;
	s13 =	sor.u32 $0x100, s9  }
0xd: {  	s14 =	sor.u32 $0x80, s9;
	s15 =	sor.u32 $0x180, s9;
	s24 =	sadd.s32 s5, s23  }
0xe: {  	s16 =	smax.u32 s22, $0x1;
	s25 =	sadd.s32 s6, s23;
	[dreg:$0x4] =	wrdreg s24  }
0xf: {  	s22 =	simm.s32 $0x180;
	s1 =	sor.u32 $0x10, s23;
	[dreg:$0x5] =	wrdreg s25  }
0x10: {  	s26 =	sadd.s32 s5, s1;
	s11 =	sadd.s32 s6, s1;
	s25 =	simm.s32 $0x1  }
0x11: {  	s1 =	simm.s32 $0x6;
	[dreg:$0x6] =	wrdreg s26;
	s26 =	simm.s32 $0x3  }
.LBB2_1:
0x12: {  	s8 =	rddreg [dreg:$0x4]  }
0x13: {  	[tilespmem:s4], [sflag:$0x7] =	stream.linear.gather [hbm4b:s8+s4], $0x80, $0x38;
	[tilespmem:$0x18200] =	vst v63  }
0x14: {  	_ =	swait.ge [sflag:s17], $0x80  }
0x15: {  	[sflag:s17] =	ssyncset.done $0x0  }
0x16: {  	s24 =	rddreg [dreg:$0x5];
	[sflag:s17] =	ssyncadd.s32 $0xFFFFFF80  }
0x17: {  	[tilespmem:s18], [sflag:$0x7] =	stream.linear.gather [hbm4b:s24+s4], $0x80, $0x38;
	[tilespmem:$0x18200] =	vst v63  }
0x18: {  	_ =	swait.ge [sflag:s17], $0x80  }
0x19: {  	[sflag:s17] =	ssyncset.done $0x0  }
0x1a: {  	s9 =	simm.s32 $0x200;
	[sflag:s17] =	ssyncadd.s32 $0xFFFFFF80  }
0x1b: {  	[tilespmem:s9], [sflag:$0x1] =	stream.indirect.gather [hbm4b:s2+s19], $0x80, s4, s19, $0xb8;
	[tilespmem:$0x18200] =	vst v63  }
0x1c: {  	s10 =	simm.s32 $0x8200  }
0x1d: {  	[tilespmem:s10], [sflag:$0x3] =	stream.indirect.gather [hbm4b:s7+s19], $0x80, s18, s19, $0xb8;
	[tilespmem:$0x18200] =	vst v63  }
0x1e: {  	s21 =	rddreg [dreg:$0x6]  }
0x1f: {  	[tilespmem:s19], [sflag:$0x7] =	stream.linear.gather [hbm4b:s21+s4], $0x80, $0x38;
	[tilespmem:$0x18200] =	vst v63  }
0x20: {  	_ =	swait.ge [sflag:s17], $0x80  }
0x21: {  	[sflag:s17] =	ssyncset.done $0x0  }
0x22: {  	[sflag:s17] =	ssyncadd.s32 $0xFFFFFF80  }
0x23: {  	[tilespmem:s22], [sflag:$0x7] =	stream.linear.gather [hbm4b:s11+s4], $0x80, $0x38;
	[tilespmem:$0x18200] =	vst v63  }
0x24: {  	_ =	swait.ge [sflag:s17], $0x80  }
0x25: {  	[sflag:s17] =	ssyncset.done $0x0  }
0x26: {  	s23 =	simm.s32 $0x4200;
	[sflag:s17] =	ssyncadd.s32 $0xFFFFFF80  }
0x27: {  	[tilespmem:s23], [sflag:$0x2] =	stream.indirect.gather [hbm4b:s2+s19], $0x80, s19, s19, $0xb8;
	[tilespmem:$0x18200] =	vst v63  }
0x28: {  	s24 =	simm.s32 $0xC200;
	s21 =	simm.s32 $0x0  }
0x29: {  	[tilespmem:s24], [sflag:$0x4] =	stream.indirect.gather [hbm4b:s7+s19], $0x80, s22, s19, $0xb8;
	[tilespmem:$0x18200] =	vst v63  }
.LBB2_2:
0x2a: {  	p0 =	seq.s32 s21, $0x0  }
0x2b: {  	s8 =	simm.s32 @!p0 $0x5  }
0x2c: {  	_ =	swait.ge @!p0 [sflag:s8], $0x4000  }
0x2d: {  	[sflag:s8] =	ssyncset.done @!p0 $0x0  }
0x2e: {  	[sflag:s8] =	ssyncadd.s32 @!p0 $0xFFFFC000  }
0x2f: {  	_ =	swait.ge [sflag:s25], $0x4000  }
0x30: {  	[sflag:s25] =	ssyncset.done $0x0  }
0x31: {  	[sflag:s25] =	ssyncadd.s32 $0xFFFFC000  }
0x32: {  	_ =	swait.ge [sflag:s26], $0x4000  }
0x33: {  	[sflag:s26] =	ssyncset.done $0x0  }
0x34: {  	s24 =	simm.s32 $0x0;
	[sflag:s26] =	ssyncadd.s32 $0xFFFFC000  }
0x35: {  	v0 =	vld [tilespmem:s24+$0x270]  }
0x36: {  	v1 =	vld [tilespmem:s24+$0x8270]  }
0x37: {  	v2 =	vld [tilespmem:s24+$0x200]  }
0x38: {  	v3 =	vld [tilespmem:s24+$0x8200]  }
0x39: {  	v4 =	vld [tilespmem:s24+$0x210]  }
0x3a: {  	v5 =	vld [tilespmem:s24+$0x8210]  }
0x3b: {  	v6 =	vld [tilespmem:s24+$0x220]  }
0x3c: {  	v7 =	vld [tilespmem:s24+$0x230]  }
0x3d: {  	v0 =	vadd.f32 v1, v0;
	v1 =	vld [tilespmem:s24+$0x8220]  }
0x3e: {  	v8 =	vld [tilespmem:s24+$0x8230]  }
0x3f: {  	v9 =	vld [tilespmem:s24+$0x8240];
	v2 =	vadd.f32 v3, v2  }
0x40: {  	[tilespmem:s24+$0x10270] =	vst v0;
	v0 =	vadd.f32 v5, v4;
	v5 =	vld [tilespmem:s24+$0x240]  }
0x41: {  	v3 =	vld [tilespmem:s24+$0x8250];
	[tilespmem:s24+$0x10200] =	vst v2  }
0x42: {  	v2 =	vld [tilespmem:s24+$0x250];
	[tilespmem:s24+$0x10210] =	vst v0;
	v0 =	vadd.f32 v1, v6  }
0x43: {  	v4 =	vld [tilespmem:s24+$0x8260];
	v6 =	vadd.f32 v8, v7  }
0x44: {  	s8 =	simm.s32 $0x80;
	[tilespmem:s24+$0x10220] =	vst v0;
	v0 =	vld [tilespmem:s24+$0x260]  }
0x45: {  	s23 =	sshll.u32 s21, $0x8;
	s9 =	simm.s32 $0x400;
	v5 =	vadd.f32 v9, v5;
	v1 =	vld [tilespmem:s8+$0x270];
	[tilespmem:s24+$0x10230] =	vst v6  }
.LBB2_3:
0x46: {  	p0 =	sne.s32 s9, $0xFE00;
	v6 =	vld [tilespmem:s8+$0x8270]  }
0x47: {  	v7 =	vld [tilespmem:s8+$0x200];
	[tilespmem:s24+$0x10240] =	vst v5;
	v2 =	vadd.f32 v3, v2  }
0x48: {  	v3 =	vld [tilespmem:s8+$0x8200]  }
0x49: {  	v5 =	vld [tilespmem:s8+$0x210];
	[tilespmem:s24+$0x10250] =	vst v2;
	v0 =	vadd.f32 v4, v0  }
0x4a: {  	v2 =	vld [tilespmem:s8+$0x8210]  }
0x4b: {  	v4 =	vld [tilespmem:s8+$0x220];
	v1 =	vadd.f32 v6, v1;
	[tilespmem:s24+$0x10260] =	vst v0;
	s24 =	smov.u32 s8  }
0x4c: {  	v0 =	vld [tilespmem:s24+$0x8220]  }
0x4d: {  	v3 =	vadd.f32 v3, v7;
	v6 =	vld [tilespmem:s24+$0x230];
	[tilespmem:s24+$0x10270] =	vst v1  }
0x4e: {  	v1 =	vld [tilespmem:s24+$0x8230]  }
0x4f: {  	[tilespmem:s24+$0x10200] =	vst v3;
	v2 =	vadd.f32 v2, v5;
	v5 =	vld [tilespmem:s24+$0x240]  }
0x50: {  	v7 =	vld [tilespmem:s24+$0x8240]  }
.Ltmp0:
0x51: {  	[tilespmem:s24+$0x10210] =	vst v2;
	v0 =	vadd.f32 v0, v4;
	v2 =	vld [tilespmem:s24+$0x250];
	(pc) =	sbr.rel @p0 .LBB2_3-.Ltmp0, $4  }
0x52: {  	v3 =	vld [tilespmem:s24+$0x8250]  }
0x53: {  	[tilespmem:s24+$0x10220] =	vst v0;
	v6 =	vadd.f32 v1, v6;
	v0 =	vld [tilespmem:s24+$0x260]  }
0x54: {  	s8 =	sshra.s32 s9, $0x2;
	v4 =	vld [tilespmem:s24+$0x8260]  }
0x55: {  	s9 =	sadd.s32 $0x200, s9;
	v1 =	vld [tilespmem:s8+$0x270];
	[tilespmem:s24+$0x10230] =	vst v6;
	v5 =	vadd.f32 v7, v5  }
0x56: {  	v6 =	vld [tilespmem:s8+$0x8270]  }
0x57: {  	v7 =	vld [tilespmem:s8+$0x200];
	[tilespmem:s24+$0x10240] =	vst v5;
	v2 =	vadd.f32 v3, v2  }
0x58: {  	v3 =	vld [tilespmem:s8+$0x8200]  }
0x59: {  	v5 =	vld [tilespmem:s8+$0x210];
	[tilespmem:s24+$0x10250] =	vst v2;
	v0 =	vadd.f32 v4, v0  }
0x5a: {  	v2 =	vld [tilespmem:s8+$0x8210]  }
0x5b: {  	v4 =	vld [tilespmem:s8+$0x220];
	[tilespmem:s24+$0x10260] =	vst v0  }
0x5c: {  	v0 =	vadd.f32 v6, v1;
	v1 =	vld [tilespmem:s8+$0x8220]  }
0x5d: {  	v6 =	vld [tilespmem:s8+$0x230]  }
0x5e: {  	v3 =	vadd.f32 v3, v7;
	[tilespmem:s8+$0x10270] =	vst v0;
	v0 =	vld [tilespmem:s8+$0x8230]  }
0x5f: {  	v7 =	vld [tilespmem:s8+$0x8260]  }
0x60: {  	[tilespmem:s8+$0x10200] =	vst v3;
	v2 =	vadd.f32 v2, v5;
	v3 =	vld [tilespmem:s8+$0x240]  }
0x61: {  	v5 =	vld [tilespmem:s8+$0x8240]  }
0x62: {  	[tilespmem:s8+$0x10210] =	vst v2;
	v1 =	vadd.f32 v1, v4;
	v2 =	vld [tilespmem:s8+$0x250]  }
0x63: {  	v4 =	vld [tilespmem:s8+$0x8250]  }
0x64: {  	[tilespmem:s8+$0x10220] =	vst v1;
	v1 =	vld [tilespmem:s8+$0x260];
	_ =	sdelay $0x1  }
0x65: {  	v0 =	vadd.f32 v0, v6  }
0x66: {  	v3 =	vadd.f32 v5, v3  }
0x67: {  	s9 =	sshll.u32 s21, $0xF;
	[tilespmem:s8+$0x10230] =	vst v0;
	v0 =	vadd.f32 v4, v2  }
0x68: {  	s9 =	sadd.s32 s12, s9;
	[tilespmem:s8+$0x10240] =	vst v3;
	v1 =	vadd.f32 v7, v1  }
0x69: {  	p0 =	seq.s32 s21, $0x63;
	s9 =	sshrl.u32 s9, $0x3;
	[tilespmem:s8+$0x10250] =	vst v0  }
0x6a: {  	s24 =	sadd.s32 s3, s9;
	[tilespmem:s8+$0x10260] =	vst v1;
	s8 =	sadd.s32 @!p0 s23, s13  }
0x6b: {  	[hbm4b:s24+s4] =	stream.linear.scatter [tilespmem:s28], [sflag:$0x5], $0x4000, $0x38;
	[tilespmem:$0x18200] =	vst v63  }
0x6c: {  	s8 =	sshrl.u32 @!p0 s8, $0x3  }
0x6d: {  	s24 =	simm.s32 @!p0 $0x0;
	s9 =	sadd.s32 @!p0 s5, s8  }
0x6e: {  	[tilespmem:s24], [sflag:$0x7] =	stream.linear.gather @!p0 [hbm4b:s9+s24], $0x80, $0x38;
	[tilespmem:$0x18200] =	vst v63  }
0x6f: {  	s9 =	simm.s32 @!p0 $0x7  }
0x70: {  	_ =	swait.ge @!p0 [sflag:s9], $0x80  }
0x71: {  	[sflag:s9] =	ssyncset.done @!p0 $0x0  }
0x72: {  	s10 =	simm.s32 @!p0 $0x100;
	s8 =	sadd.s32 @!p0 s6, s8;
	[sflag:s9] =	ssyncadd.s32 @!p0 $0xFFFFFF80  }
0x73: {  	[tilespmem:s10], [sflag:$0x7] =	stream.linear.gather @!p0 [hbm4b:s8+s24], $0x80, $0x38;
	[tilespmem:$0x18200] =	vst v63  }
0x74: {  	_ =	swait.ge @!p0 [sflag:s9], $0x80  }
0x75: {  	p1 =	seq.s32 @!p0 s21, $0x0;
	[sflag:s9] =	ssyncset.done @!p0 $0x0  }
0x76: {  	s8 =	simm.s32 @!p0 $0x80;
	[sflag:s9] =	ssyncadd.s32 @!p0 $0xFFFFFF80;
	s9 =	simm.s32 @!p0 $0x200  }
0x77: {  	[tilespmem:s9], [sflag:$0x1] =	stream.indirect.gather @!p0 [hbm4b:s2+s8], $0x80, s24, s8, $0xb8;
	[tilespmem:$0x18200] =	vst v63  }
0x78: {  	p1 =	por p0, !p1;
	s9 =	simm.s32 @!p0 $0x8200  }
0x79: {  	[tilespmem:s9], [sflag:$0x3] =	stream.indirect.gather @!p0 [hbm4b:s7+s8], $0x80, s10, s8, $0xb8;
	[tilespmem:$0x18200] =	vst v63  }
0x7a: {  	_ =	swait.ge @p1 [sflag:s1], $0x4000  }
0x7b: {  	[sflag:s1] =	ssyncset.done @p1 $0x0  }
0x7c: {  	[sflag:s1] =	ssyncadd.s32 @p1 $0xFFFFC000  }
0x7d: {  	_ =	swait.ge [sflag:s29], $0x4000  }
0x7e: {  	[sflag:s29] =	ssyncset.done $0x0  }
0x7f: {  	[sflag:s29] =	ssyncadd.s32 $0xFFFFC000  }
0x80: {  	_ =	swait.ge [sflag:s30], $0x4000  }
0x81: {  	[sflag:s30] =	ssyncset.done $0x0  }
0x82: {  	s24 =	simm.s32 $0x0;
	[sflag:s30] =	ssyncadd.s32 $0xFFFFC000  }
0x83: {  	v0 =	vld [tilespmem:s24+$0x4270]  }
0x84: {  	v1 =	vld [tilespmem:s24+$0xC270]  }
0x85: {  	v2 =	vld [tilespmem:s24+$0x4200]  }
0x86: {  	v3 =	vld [tilespmem:s24+$0xC200]  }
0x87: {  	v4 =	vld [tilespmem:s24+$0x4210]  }
0x88: {  	v5 =	vld [tilespmem:s24+$0xC210]  }
0x89: {  	v6 =	vld [tilespmem:s24+$0x4220]  }
0x8a: {  	v7 =	vld [tilespmem:s24+$0x4230]  }
0x8b: {  	v0 =	vadd.f32 v1, v0;
	v1 =	vld [tilespmem:s24+$0xC220]  }
0x8c: {  	v8 =	vld [tilespmem:s24+$0xC230]  }
0x8d: {  	v9 =	vld [tilespmem:s24+$0xC240];
	v2 =	vadd.f32 v3, v2  }
0x8e: {  	[tilespmem:s24+$0x14270] =	vst v0;
	v0 =	vadd.f32 v5, v4;
	v5 =	vld [tilespmem:s24+$0x4240]  }
0x8f: {  	v3 =	vld [tilespmem:s24+$0xC250];
	[tilespmem:s24+$0x14200] =	vst v2  }
0x90: {  	v2 =	vld [tilespmem:s24+$0x4250];
	[tilespmem:s24+$0x14210] =	vst v0;
	v0 =	vadd.f32 v1, v6  }
0x91: {  	v4 =	vld [tilespmem:s24+$0xC260];
	v6 =	vadd.f32 v8, v7  }
0x92: {  	s8 =	simm.s32 $0x80;
	[tilespmem:s24+$0x14220] =	vst v0;
	v0 =	vld [tilespmem:s24+$0x4260]  }
0x93: {  	s21 =	sadd.s32 $0x1, s21;
	s9 =	simm.s32 $0x400;
	v5 =	vadd.f32 v9, v5;
	v1 =	vld [tilespmem:s8+$0x4270];
	[tilespmem:s24+$0x14230] =	vst v6  }
.LBB2_5:
0x94: {  	p1 =	sne.s32 s9, $0xFE00;
	v6 =	vld [tilespmem:s8+$0xC270]  }
0x95: {  	v7 =	vld [tilespmem:s8+$0x4200];
	[tilespmem:s24+$0x14240] =	vst v5;
	v2 =	vadd.f32 v3, v2  }
0x96: {  	v3 =	vld [tilespmem:s8+$0xC200]  }
0x97: {  	v5 =	vld [tilespmem:s8+$0x4210];
	[tilespmem:s24+$0x14250] =	vst v2;
	v0 =	vadd.f32 v4, v0  }
0x98: {  	v2 =	vld [tilespmem:s8+$0xC210]  }
0x99: {  	v4 =	vld [tilespmem:s8+$0x4220];
	v1 =	vadd.f32 v6, v1;
	[tilespmem:s24+$0x14260] =	vst v0;
	s24 =	smov.u32 s8  }
0x9a: {  	v0 =	vld [tilespmem:s24+$0xC220]  }
0x9b: {  	v3 =	vadd.f32 v3, v7;
	v6 =	vld [tilespmem:s24+$0x4230];
	[tilespmem:s24+$0x14270] =	vst v1  }
0x9c: {  	v1 =	vld [tilespmem:s24+$0xC230]  }
0x9d: {  	[tilespmem:s24+$0x14200] =	vst v3;
	v2 =	vadd.f32 v2, v5;
	v5 =	vld [tilespmem:s24+$0x4240]  }
0x9e: {  	v7 =	vld [tilespmem:s24+$0xC240]  }
.Ltmp1:
0x9f: {  	[tilespmem:s24+$0x14210] =	vst v2;
	v0 =	vadd.f32 v0, v4;
	v2 =	vld [tilespmem:s24+$0x4250];
	(pc) =	sbr.rel @p1 .LBB2_5-.Ltmp1, $4  }
0xa0: {  	v3 =	vld [tilespmem:s24+$0xC250]  }
0xa1: {  	[tilespmem:s24+$0x14220] =	vst v0;
	v6 =	vadd.f32 v1, v6;
	v0 =	vld [tilespmem:s24+$0x4260]  }
0xa2: {  	s8 =	sshra.s32 s9, $0x2;
	v4 =	vld [tilespmem:s24+$0xC260]  }
0xa3: {  	s9 =	sadd.s32 $0x200, s9;
	v1 =	vld [tilespmem:s8+$0x4270];
	[tilespmem:s24+$0x14230] =	vst v6;
	v5 =	vadd.f32 v7, v5  }
0xa4: {  	v6 =	vld [tilespmem:s8+$0xC270]  }
0xa5: {  	v7 =	vld [tilespmem:s8+$0x4200];
	[tilespmem:s24+$0x14240] =	vst v5;
	v2 =	vadd.f32 v3, v2  }
0xa6: {  	v51 =	vld [tilespmem:s8+$0xC200]  }
0xa7: {  	v5 =	vld [tilespmem:s8+$0x4210];
	[tilespmem:s24+$0x14250] =	vst v2;
	v0 =	vadd.f32 v4, v0  }
0xa8: {  	v2 =	vld [tilespmem:s8+$0xC210]  }
0xa9: {  	v52 =	vld [tilespmem:s8+$0x4220];
	[tilespmem:s24+$0x14260] =	vst v0  }
0xaa: {  	v54 =	vld [tilespmem:s8+$0xC220]  }
0xab: {  	v55 =	vld [tilespmem:s8+$0x4230]  }
0xac: {  	v56 =	vld [tilespmem:s8+$0xC230]  }
0xad: {  	v57 =	vld [tilespmem:s8+$0x4240]  }
0xae: {  	v58 =	vld [tilespmem:s8+$0xC240]  }
0xaf: {  	v59 =	vld [tilespmem:s8+$0x4250]  }
0xb0: {  	v53 =	vadd.f32 v6, v1;
	v60 =	vld [tilespmem:s8+$0xC250]  }
0xb1: {  	v61 =	vld [tilespmem:s8+$0x4260];
	v3 =	vadd.f32 v51, v7  }
0xb2: {  	v62 =	vld [tilespmem:s8+$0xC260];
	[tilespmem:s8+$0x14270] =	vst v53;
	v2 =	vadd.f32 v2, v5  }
0xb3: {  	[tilespmem:s8+$0x14200] =	vst v3;
	v1 =	vadd.f32 v54, v52  }
0xb4: {  	[tilespmem:s8+$0x14210] =	vst v2;
	v0 =	vadd.f32 v56, v55  }
0xb5: {  	v3 =	vadd.f32 v58, v57;
	[tilespmem:s8+$0x14220] =	vst v1  }
0xb6: {  	v63 =	vadd.f32 v60, v59;
	[tilespmem:s8+$0x14230] =	vst v0  }
0xb7: {  	s9 =	sadd.s32 s23, s14;
	[tilespmem:s8+$0x14240] =	vst v3;
	v1 =	vadd.f32 v62, v61  }
0xb8: {  	s9 =	sshll.u32 s9, $0x4;
	[tilespmem:s8+$0x14250] =	vst v63  }
0xb9: {  	s24 =	sadd.s32 s3, s9;
	[tilespmem:s8+$0x14260] =	vst v1;
	s8 =	sadd.s32 @!p0 s23, s15  }
0xba: {  	[hbm4b:s24+s4] =	stream.linear.scatter [tilespmem:s31], [sflag:$0x6], $0x4000, $0x38;
	[tilespmem:$0x18200] =	vst v63  }
0xbb: {  	s8 =	sshrl.u32 @!p0 s8, $0x3  }
0xbc: {  	s10 =	simm.s32 @!p0 $0x0;
	s23 =	simm.s32 @!p0 $0x80;
	s9 =	sadd.s32 @!p0 s5, s8  }
0xbd: {  	[tilespmem:s23], [sflag:$0x7] =	stream.linear.gather @!p0 [hbm4b:s9+s10], $0x80, $0x38;
	[tilespmem:$0x18200] =	vst v63  }
0xbe: {  	s9 =	simm.s32 @!p0 $0x7  }
0xbf: {  	_ =	swait.ge @!p0 [sflag:s9], $0x80  }
0xc0: {  	[sflag:s9] =	ssyncset.done @!p0 $0x0  }
0xc1: {  	s24 =	simm.s32 @!p0 $0x180;
	s8 =	sadd.s32 @!p0 s6, s8;
	[sflag:s9] =	ssyncadd.s32 @!p0 $0xFFFFFF80  }
0xc2: {  	[tilespmem:s24], [sflag:$0x7] =	stream.linear.gather @!p0 [hbm4b:s8+s10], $0x80, $0x38;
	[tilespmem:$0x18200] =	vst v63  }
0xc3: {  	_ =	swait.ge @!p0 [sflag:s9], $0x80  }
0xc4: {  	[sflag:s9] =	ssyncset.done @!p0 $0x0  }
0xc5: {  	s8 =	simm.s32 @!p0 $0x4200;
	[sflag:s9] =	ssyncadd.s32 @!p0 $0xFFFFFF80  }
0xc6: {  	[tilespmem:s8], [sflag:$0x2] =	stream.indirect.gather @!p0 [hbm4b:s2+s23], $0x80, s23, s23, $0xb8;
	[tilespmem:$0x18200] =	vst v63  }
0xc7: {  	p1 =	sne.s32 @!p0 s21, $0x64;
	s8 =	simm.s32 @!p0 $0xC200  }
0xc8: {  	[tilespmem:s8], [sflag:$0x4] =	stream.indirect.gather @!p0 [hbm4b:s7+s23], $0x80, s24, s23, $0xb8;
	[tilespmem:$0x18200] =	vst v63  }
0xc9: {  	p0 =	por p0, !p1  }
.Ltmp2:
0xca: {  	_ = 	snop;
	(pc) =	sbr.rel @!p0 .LBB2_2-.Ltmp2, $1  }
0xcb: {  	_ =	sdelay $0x3  }
0xcc: {  	s20 =	sadd.s32 $0x1, s20  }
0xcd: {  	_ =	swait.ge [sflag:s0], $0x4000;
	p0 =	sne.s32 s20, s16  }
.Ltmp3:
0xce: {  	[sflag:s0] =	ssyncset.done $0x0;
	(pc) =	sbr.rel @p0 .LBB2_1-.Ltmp3, $4  }
0xcf: {  	[sflag:s0] =	ssyncadd.s32 $0xFFFFC000  }
0xd0: {  	_ =	swait.ge [sflag:s1], $0x4000  }
0xd1: {  	[sflag:s1] =	ssyncset.done $0x0  }
0xd2: {  	[sflag:s1] =	ssyncadd.s32 $0xFFFFC000  }
0xd3: {  	_ =	sfence.sel $0x180000  }
0xd4: {  	[bflag:$0x0] =	sbarrier.arrive $0xFFFF  }
0xd5: {  	_ =	strace $0x90000047  }
0xd6: {  	s0 =	stileid.u32;
	[bflag:$0x2] =	sbarrier.arrive $0xFFFF  }
0xd7: {  	p0 =	sne.s32 s0, $0x0;
	s0 =	rddreg [dreg:$0x3]  }
0xd8: {  	s0 =	sadd.s32 @!p0 $0x100000, s0  }
0xd9: {  	[sflag:s0] =	ssyncadd.tile.s32 @!p0 $0x1;
	_ =	shalt  }
.Lfunc_end2:
_tile_overlayer_lowered:
.L_overlay_start_2:
0xda: {  	(tag) =	ssettag $0x2  }
0xdb: {  	s0 =	rddreg [dreg:$0x0];
	s2 =	stileid.u32  }
0xdc: {  	s1 =	rddreg [dreg:$0x1];
	p0 =	sne.s32 s2, $0x0  }
0xdd: {  	s3 =	rddreg [dreg:$0x2];
	[bflag:$0x3] =	sbarrier.arrive $0xFFFF;
	s2 =	simm.s32 @!p0 $0x1C07  }
0xde: {  	[timem:s3], [sflag:s2] =	dma.local @!p0 [hbm:s0], s1  }
0xdf: {  	s0 =	simm.s32 @!p0 $0x7  }
0xe0: {  	_ =	swait.ge @!p0 [sflag:s0], s1  }
0xe1: {  	s1 =	ssub.s32 @!p0 $0x0, s1;
	[sflag:s0] =	ssyncset.done @!p0 $0x0  }
0xe2: {  	[sflag:s0] =	ssyncadd.s32 @!p0 s1  }
0xe3: {  	[bflag:$0x3] =	sbarrier.arrive $0xFFFF  }
0xe4: {  	_ =	shalt  }

</sc_bundles>
